<compile_context>
chip_gen: v7x
topology: tpu7x:2x2x1
jax: 0.10.2.dev20260603
libtpu: 0.0.44.dev20260713+nightly
codegen_flags: <defaults>
</compile_context>

<pallas_src>
import jax
import jax.numpy as jnp
from jax import lax
from jax.experimental import pallas as pl
from jax.experimental.pallas import tpu as pltpu
from jax.experimental.pallas import tpu_sc as plsc

N = 10000
E = 320000
D = 128
NC = 2
NS = 16
NW = NC * NS
K = 80
EW = E // NW
NCHUNK = EW // K
NPAIR = (NCHUNK - 1) // 2
RPT = N // NS

_MESH = plsc.VectorSubcoreMesh(
    core_axis_name="c", subcore_axis_name="s", num_cores=NC, num_subcores=NS
)


def _make_sc_agg():
  scratch_types = [
      pltpu.VMEM((NCHUNK, K), jnp.int32),
      pltpu.VMEM((K,), jnp.int32),
      pltpu.VMEM((K,), jnp.int32),
      pltpu.VMEM((K, D), jnp.float32),
      pltpu.VMEM((K, D), jnp.float32),
      pltpu.SemaphoreType.DMA,
      pltpu.SemaphoreType.DMA,
      pltpu.SemaphoreType.DMA,
      pltpu.SemaphoreType.DMA,
      pltpu.VMEM_SHARED((N, D), jnp.float32),
  ]

  def body(x, srcr, dstr, zrows, agg_out, idx_s, idx_d0, idx_d1,
           rows0, rows1, sem0, sem1, dsem0, dsem1, agg_sh):
    c = lax.axis_index("c")
    s = lax.axis_index("s")
    wid = c * NS + s
    pltpu.sync_copy(zrows, agg_sh.at[pl.ds(s * RPT, RPT)])
    pltpu.sync_copy(srcr.at[wid], idx_s)
    plsc.subcore_barrier()

    last = NCHUNK - 1

    def gather(i, rows, sem):
      pltpu.async_copy(x.at[idx_s.at[i]], rows, sem)

    def dload(i, idx_d, dsem):
      pltpu.async_copy(dstr.at[wid, jnp.minimum(i, last)], idx_d, dsem)

    def scatter(rows, idx_d):
      pltpu.sync_copy(rows, agg_sh.at[idx_d], add=True)

    def gwait(rows, sem):
      pltpu.make_async_copy(x.at[idx_s.at[0]], rows, sem).wait()

    def dwait(idx_d, dsem):
      pltpu.make_async_copy(dstr.at[wid, 0], idx_d, dsem).wait()

    dload(0, idx_d0, dsem0)
    gather(0, rows0, sem0)
    dload(1, idx_d1, dsem1)

    def pair(j, carry):
      gather(2 * j + 1, rows1, sem1)
      gwait(rows0, sem0)
      dwait(idx_d0, dsem0)
      scatter(rows0, idx_d0)
      gather(2 * j + 2, rows0, sem0)
      dload(2 * j + 2, idx_d0, dsem0)
      gwait(rows1, sem1)
      dwait(idx_d1, dsem1)
      scatter(rows1, idx_d1)
      dload(2 * j + 3, idx_d1, dsem1)
      return carry

    lax.fori_loop(0, NPAIR, pair, 0)
    gwait(rows0, sem0)
    dwait(idx_d0, dsem0)
    scatter(rows0, idx_d0)
    dwait(idx_d1, dsem1)

    plsc.subcore_barrier()
    pltpu.sync_copy(agg_sh.at[pl.ds(s * RPT, RPT)], agg_out.at[c, s])

  return pl.kernel(
      body, mesh=_MESH, scratch_types=scratch_types, name="sage_sc_agg",
      out_type=[jax.ShapeDtypeStruct((NC, NS, RPT, D), jnp.float32)],
  )


def _make_sc_deg():
  scratch_types = [
      pltpu.VMEM((NCHUNK, K), jnp.int32),
      pltpu.VMEM((K, D), jnp.float32),
      pltpu.SemaphoreType.DMA,
      pltpu.VMEM_SHARED((N, D), jnp.float32),
  ]

  def body(dstr, zrows, onesr, deg_out, idx_d, ones_v, sem, deg_sh):
    c = lax.axis_index("c")
    s = lax.axis_index("s")
    wid = c * NS + s
    pltpu.sync_copy(zrows, deg_sh.at[pl.ds(s * RPT, RPT)])
    pltpu.sync_copy(onesr, ones_v)
    pltpu.sync_copy(dstr.at[wid], idx_d)
    plsc.subcore_barrier()

    def chunk(i, carry):
      pltpu.async_copy(ones_v, deg_sh.at[idx_d.at[i]], sem, add=True)
      return carry

    lax.fori_loop(0, NCHUNK, chunk, 0)

    def drain(i, carry):
      pltpu.make_async_copy(ones_v, deg_sh.at[idx_d.at[0]], sem).wait()
      return carry

    lax.fori_loop(0, NCHUNK, drain, 0)
    plsc.subcore_barrier()
    pltpu.sync_copy(deg_sh.at[pl.ds(s * RPT, RPT)], deg_out.at[c, s])

  return pl.kernel(
      body, mesh=_MESH, scratch_types=scratch_types, name="sage_sc_deg",
      out_type=[jax.ShapeDtypeStruct((NC, NS, RPT, D), jnp.float32)],
  )


_R = 1000
_row_block = lambda i: (i, 0)
_fixed = lambda i: (0, 0)


def _make_self():

  def body(x_ref, ws_ref, b_ref, o_ref):
    dn = (((1,), (1,)), ((), ()))
    o_ref[...] = lax.dot_general(
        x_ref[...], ws_ref[...], dn, preferred_element_type=jnp.float32
    ) + b_ref[...]

  return pl.pallas_call(
      body,
      grid=(N // _R,),
      in_specs=[
          pl.BlockSpec((_R, D), _row_block),
          pl.BlockSpec((D, D), _fixed),
          pl.BlockSpec((1, D), _fixed),
      ],
      out_specs=pl.BlockSpec((_R, D), _row_block),
      out_shape=jax.ShapeDtypeStruct((N, D), jnp.float32),
  )


def _make_combine(relu: bool):

  def body(s_ref, a0_ref, a1_ref, d_ref, wn_ref, o_ref):
    deg = jnp.maximum(d_ref[:, 0:1], 1.0)
    agg = (a0_ref[...] + a1_ref[...]) / deg
    dn = (((1,), (1,)), ((), ()))
    h = s_ref[...] + lax.dot_general(
        agg, wn_ref[...], dn, preferred_element_type=jnp.float32
    )
    o_ref[...] = jnp.maximum(h, 0.0) if relu else h

  return pl.pallas_call(
      body,
      grid=(N // _R,),
      in_specs=[
          pl.BlockSpec((_R, D), _row_block),
          pl.BlockSpec((_R, D), _row_block),
          pl.BlockSpec((_R, D), _row_block),
          pl.BlockSpec((_R, 1), _row_block),
          pl.BlockSpec((D, D), _fixed),
      ],
      out_specs=pl.BlockSpec((_R, D), _row_block),
      out_shape=jax.ShapeDtypeStruct((N, D), jnp.float32),
  )


def kernel(x, edge_index, W1_self, W1_neigh, b1, W2_self, W2_neigh, b2):
  src = edge_index[0].astype(jnp.int32).reshape(NW, NCHUNK, K)
  dst = edge_index[1].astype(jnp.int32).reshape(NW, NCHUNK, K)
  zrows = jnp.zeros((RPT, D), jnp.float32)
  ones_rows = jnp.ones((K, D), jnp.float32)

  sc_agg = _make_sc_agg()
  dense_self = _make_self()

  (deg,) = _make_sc_deg()(dst, zrows, ones_rows)
  deg = deg.reshape(NC, N, D)
  degc = deg[0, :, 0:1] + deg[1, :, 0:1]

  (agg1,) = sc_agg(x, src, dst, zrows)
  agg1 = agg1.reshape(NC, N, D)
  s1 = dense_self(x, W1_self, b1.reshape(1, D))
  h = _make_combine(True)(s1, agg1[0], agg1[1], degc, W1_neigh)

  (agg2,) = sc_agg(h, src, dst, zrows)
  agg2 = agg2.reshape(NC, N, D)
  s2 = dense_self(h, W2_self, b2.reshape(1, D))
  out = _make_combine(False)(s2, agg2[0], agg2[1], degc, W2_neigh)
  return out

# --- scband reference (transcript-rebuilt; emitter-appended) ---
"""Pipeline reference for scband-sage-16552803959273 (READ-ONLY COPY).

The authoritative reference and input builder live on the scoring server;
editing this copy changes nothing except your own understanding.
"""

import jax, jax.numpy as jnp
import numpy as np

N_NODES = 10000
N_EDGES = 320000
D_IN = 128
D_HID = 128
D_OUT = 128

def setup_inputs(seed: int = 0) -> dict:
    key = jax.random.key(seed)
    ks = jax.random.split(key, 9)
    x = jax.random.normal(ks[0], (N_NODES, D_IN), dtype=jnp.float32)
    edge_index = jax.random.randint(ks[1], (2, N_EDGES), 0, N_NODES, dtype=jnp.int64)
    s1 = 1.0 / np.sqrt(D_IN)
    s2 = 1.0 / np.sqrt(D_HID)
    W1_self = jax.random.uniform(ks[2], (D_HID, D_IN), jnp.float32, -s1, s1)
    W1_neigh = jax.random.uniform(ks[3], (D_HID, D_IN), jnp.float32, -s1, s1)
    b1 = jax.random.uniform(ks[4], (D_HID,), jnp.float32, -s1, s1)
    W2_self = jax.random.uniform(ks[5], (D_OUT, D_HID), jnp.float32, -s2, s2)
    W2_neigh = jax.random.uniform(ks[6], (D_OUT, D_HID), jnp.float32, -s2, s2)
    b2 = jax.random.uniform(ks[7], (D_OUT,), jnp.float32, -s2, s2)
    return {"x": x, "edge_index": edge_index, "W1_self": W1_self, "W1_neigh": W1_neigh, "b1": b1, "W2_self": W2_self, "W2_neigh": W2_neigh, "b2": b2}

def _sage_conv(x, edge_index, W_self, W_neigh, b):
    # DGL SAGEConv with aggregator_type='mean':
    # h_neigh = mean over incoming-edge source features; out = fc_self(h) + fc_neigh(h_neigh) + bias
    src = edge_index[0]
    dst = edge_index[1]
    n = x.shape[0]
    msgs = jnp.take(x, src, axis=0)                                  # gather  [E, d]
    agg = jax.ops.segment_sum(msgs, dst, num_segments=n)             # scatter-add [N, d]
    deg = jax.ops.segment_sum(jnp.ones((msgs.shape[0],), dtype=x.dtype), dst, num_segments=n)
    h_neigh = agg / jnp.maximum(deg, 1.0)[:, None]
    return x @ W_self.T + h_neigh @ W_neigh.T + b

def reference(x, edge_index, W1_self, W1_neigh, b1, W2_self, W2_neigh, b2):
    h = _sage_conv(x, edge_index, W1_self, W1_neigh, b1)
    h = jax.nn.relu(h)
    out = _sage_conv(h, edge_index, W2_self, W2_neigh, b2)
    return out

if __name__ == "__main__":
    import jax
    _d = setup_inputs()
    print(jax.jit(kernel)(*tuple(_d.values())))

</pallas_src>

<mosaic_0001>
#map = affine_map<(d0, d1) -> (0, 0, 0)>
#map1 = affine_map<(d0, d1) -> (0, 0)>
#map2 = affine_map<(d0, d1) -> (0, 0, 0, 0)>
module attributes {stable_mosaic.version = 14 : i64} {
  func.func @sage_sc_deg(%arg0: i32, %arg1: i32, %arg2: memref<32x125x80xi32, #tpu.memory_space<hbm>>, %arg3: memref<625x128xf32, #tpu.memory_space<hbm>>, %arg4: memref<80x128xf32, #tpu.memory_space<hbm>>, %arg5: memref<2x16x625x128xf32, #tpu.memory_space<hbm>>, %arg6: memref<125x80xi32, #tpu.memory_space<vmem>>, %arg7: memref<80x128xf32, #tpu.memory_space<vmem>>, %arg8: memref<!tpu.dma_semaphore, #tpu.memory_space<semaphore_mem>>, %arg9: memref<10000x128xf32, #tpu.memory_space<vmem_shared>>) attributes {dimension_semantics = [#tpu.dimension_semantics<core_parallel>, #tpu.dimension_semantics<subcore_parallel>], iteration_bounds = array<i64: 2, 16>, scalar_prefetch = 0 : i64, scratch_operands = 4 : i64, tpu.core_type = #tpu.core_type<sc_vector_subcore>, window_params = [{transform_indices = #map}, {transform_indices = #map1}, {transform_indices = #map1}, {transform_indices = #map2}]} {
    %mul3A = arith.constant 16 : i32
    %mul3A_0 = arith.muli %arg0, %mul3A : i32
    %add3A = arith.addi %mul3A_0, %arg1 : i32
    %mul3A_1 = arith.constant 625 : i32
    %mul3A_2 = arith.muli %arg1, %mul3A_1 : i32
    "tpu.region"() ({
      %run_scoped3A = tpu.sem_alloc : memref<!tpu.dma_semaphore, #tpu.memory_space<semaphore_mem>>
      %dma_start3A = arith.constant 0 : i32
      %dma_start3A_17 = tpu.memref_slice %arg9[%mul3A_2, %dma_start3A] : memref<10000x128xf32, #tpu.memory_space<vmem_shared>> -> memref<625x128xf32, #tpu.memory_space<vmem_shared>>
      tpu.enqueue_dma source(%arg3 : memref<625x128xf32, #tpu.memory_space<hbm>>) target(%dma_start3A_17 : memref<625x128xf32, #tpu.memory_space<vmem_shared>>) target_semaphore(%run_scoped3A : memref<!tpu.dma_semaphore, #tpu.memory_space<semaphore_mem>>)
      %dma_wait3A = arith.constant 0 : i32
      %dma_wait3A_18 = tpu.memref_slice %arg9[%mul3A_2, %dma_wait3A] : memref<10000x128xf32, #tpu.memory_space<vmem_shared>> -> memref<625x128xf32, #tpu.memory_space<vmem_shared>>
      tpu.wait_dma2 semaphore(%run_scoped3A : memref<!tpu.dma_semaphore, #tpu.memory_space<semaphore_mem>>) src(%arg3 : memref<625x128xf32, #tpu.memory_space<hbm>>) dst(%dma_wait3A_18 : memref<625x128xf32, #tpu.memory_space<vmem_shared>>)
      tpu.yield
    }) : () -> ()
    "tpu.region"() ({
      %run_scoped3A = tpu.sem_alloc : memref<!tpu.dma_semaphore, #tpu.memory_space<semaphore_mem>>
      tpu.enqueue_dma source(%arg4 : memref<80x128xf32, #tpu.memory_space<hbm>>) target(%arg7 : memref<80x128xf32, #tpu.memory_space<vmem>>) target_semaphore(%run_scoped3A : memref<!tpu.dma_semaphore, #tpu.memory_space<semaphore_mem>>)
      tpu.wait_dma2 semaphore(%run_scoped3A : memref<!tpu.dma_semaphore, #tpu.memory_space<semaphore_mem>>) src(%arg4 : memref<80x128xf32, #tpu.memory_space<hbm>>) dst(%arg7 : memref<80x128xf32, #tpu.memory_space<vmem>>)
      tpu.yield
    }) : () -> ()
    "tpu.region"() ({
      %run_scoped3A = tpu.sem_alloc : memref<!tpu.dma_semaphore, #tpu.memory_space<semaphore_mem>>
      %dma_start3A = arith.constant 0 : i32
      %dma_start3A_17 = arith.constant 0 : i32
      %dma_start3A_18 = tpu.memref_slice %arg2[%add3A, %dma_start3A, %dma_start3A_17] : memref<32x125x80xi32, #tpu.memory_space<hbm>> -> memref<1x125x80xi32, #tpu.memory_space<hbm>>
      %dma_start3A_19 = tpu.memref_squeeze %dma_start3A_18 : memref<1x125x80xi32, #tpu.memory_space<hbm>> -> memref<125x80xi32, #tpu.memory_space<hbm>>
      %dma_start3A_20 = arith.constant 0 : i32
      %dma_start3A_21 = arith.constant 0 : i32
      %dma_start3A_22 = tpu.memref_slice %arg2[%add3A, %dma_start3A_20, %dma_start3A_21] : memref<32x125x80xi32, #tpu.memory_space<hbm>> -> memref<1x125x80xi32, #tpu.memory_space<hbm>>
      %dma_start3A_23 = tpu.memref_squeeze %dma_start3A_22 : memref<1x125x80xi32, #tpu.memory_space<hbm>> -> memref<125x80xi32, #tpu.memory_space<hbm>>
      tpu.enqueue_dma source(%dma_start3A_23 : memref<125x80xi32, #tpu.memory_space<hbm>>) target(%arg6 : memref<125x80xi32, #tpu.memory_space<vmem>>) target_semaphore(%run_scoped3A : memref<!tpu.dma_semaphore, #tpu.memory_space<semaphore_mem>>)
      %dma_wait3A = arith.constant 0 : i32
      %dma_wait3A_24 = arith.constant 0 : i32
      %dma_wait3A_25 = tpu.memref_slice %arg2[%add3A, %dma_wait3A, %dma_wait3A_24] : memref<32x125x80xi32, #tpu.memory_space<hbm>> -> memref<1x125x80xi32, #tpu.memory_space<hbm>>
      %dma_wait3A_26 = tpu.memref_squeeze %dma_wait3A_25 : memref<1x125x80xi32, #tpu.memory_space<hbm>> -> memref<125x80xi32, #tpu.memory_space<hbm>>
      %dma_wait3A_27 = arith.constant 0 : i32
      %dma_wait3A_28 = arith.constant 0 : i32
      %dma_wait3A_29 = tpu.memref_slice %arg2[%add3A, %dma_wait3A_27, %dma_wait3A_28] : memref<32x125x80xi32, #tpu.memory_space<hbm>> -> memref<1x125x80xi32, #tpu.memory_space<hbm>>
      %dma_wait3A_30 = tpu.memref_squeeze %dma_wait3A_29 : memref<1x125x80xi32, #tpu.memory_space<hbm>> -> memref<125x80xi32, #tpu.memory_space<hbm>>
      tpu.wait_dma2 semaphore(%run_scoped3A : memref<!tpu.dma_semaphore, #tpu.memory_space<semaphore_mem>>) src(%dma_wait3A_30 : memref<125x80xi32, #tpu.memory_space<hbm>>) dst(%arg6 : memref<125x80xi32, #tpu.memory_space<vmem>>)
      tpu.yield
    }) : () -> ()
    %barrier3A = arith.constant 0 : index
    tpu.barrier barrier_id(%barrier3A)
    %scan3A = arith.constant 0 : i32
    %scan3A_3 = arith.constant 0 : i32
    %scan3A_4 = arith.constant 125 : i32
    %scan3A_5 = arith.addi %scan3A_3, %scan3A_4 : i32
    %scan3A_6 = arith.constant 1 : i32
    scf.for %scan3A_17 = %scan3A_3 to %scan3A_5 step %scan3A_6  : i32 {
      %dma_start3A = arith.constant 0 : i32
      %dma_start3A_18 = tpu.memref_slice %arg6[%scan3A_17, %dma_start3A] : memref<125x80xi32, #tpu.memory_space<vmem>> -> memref<1x80xi32, #tpu.memory_space<vmem>>
      %dma_start3A_19 = tpu.memref_squeeze %dma_start3A_18 : memref<1x80xi32, #tpu.memory_space<vmem>> -> memref<80xi32, #tpu.memory_space<vmem>>
      %dma_start3A_20 = arith.constant 0 : i32
      %dma_start3A_21 = arith.constant 0 : i32
      %dma_start3A_22 = tpu.memref_slice %arg9[%dma_start3A_20, %dma_start3A_21] : memref<10000x128xf32, #tpu.memory_space<vmem_shared>> -> memref<10000x128xf32, #tpu.memory_space<vmem_shared>>
      tpu.enqueue_indirect_dma source(%arg7 : memref<80x128xf32, #tpu.memory_space<vmem>>) target(%dma_start3A_22 : memref<10000x128xf32, #tpu.memory_space<vmem_shared>>) offsets(%dma_start3A_19 : memref<80xi32, #tpu.memory_space<vmem>>) semaphore(%arg8 : memref<!tpu.dma_semaphore, #tpu.memory_space<semaphore_mem>>) {add = true}
    }
    %scan3A_7 = arith.constant 125 : i32
    %scan3A_8 = arith.constant 0 : i32
    %scan3A_9 = arith.constant 0 : i32
    %scan3A_10 = arith.constant 125 : i32
    %scan3A_11 = arith.addi %scan3A_9, %scan3A_10 : i32
    %scan3A_12 = arith.constant 1 : i32
    scf.for %scan3A_17 = %scan3A_9 to %scan3A_11 step %scan3A_12  : i32 {
      %dma_wait3A = arith.constant 0 : i32
      %dma_wait3A_18 = arith.constant 0 : i32
      %dma_wait3A_19 = tpu.memref_slice %arg6[%dma_wait3A, %dma_wait3A_18] : memref<125x80xi32, #tpu.memory_space<vmem>> -> memref<1x80xi32, #tpu.memory_space<vmem>>
      %dma_wait3A_20 = tpu.memref_squeeze %dma_wait3A_19 : memref<1x80xi32, #tpu.memory_space<vmem>> -> memref<80xi32, #tpu.memory_space<vmem>>
      %dma_wait3A_21 = arith.constant 0 : i32
      %dma_wait3A_22 = arith.constant 0 : i32
      %dma_wait3A_23 = tpu.memref_slice %arg9[%dma_wait3A_21, %dma_wait3A_22] : memref<10000x128xf32, #tpu.memory_space<vmem_shared>> -> memref<10000x128xf32, #tpu.memory_space<vmem_shared>>
      tpu.wait_indirect_dma semaphore(%arg8 : memref<!tpu.dma_semaphore, #tpu.memory_space<semaphore_mem>>) src(%arg7 : memref<80x128xf32, #tpu.memory_space<vmem>>) dst(%dma_wait3A_23 : memref<10000x128xf32, #tpu.memory_space<vmem_shared>>)
    }
    %scan3A_13 = arith.constant 125 : i32
    %barrier3A_14 = arith.constant 0 : index
    tpu.barrier barrier_id(%barrier3A_14)
    %mul3A_15 = arith.constant 625 : i32
    %mul3A_16 = arith.muli %arg1, %mul3A_15 : i32
    "tpu.region"() ({
      %run_scoped3A = tpu.sem_alloc : memref<!tpu.dma_semaphore, #tpu.memory_space<semaphore_mem>>
      %dma_start3A = arith.constant 0 : i32
      %dma_start3A_17 = arith.constant 0 : i32
      %dma_start3A_18 = tpu.memref_slice %arg5[%arg0, %arg1, %dma_start3A, %dma_start3A_17] : memref<2x16x625x128xf32, #tpu.memory_space<hbm>> -> memref<1x1x625x128xf32, #tpu.memory_space<hbm>>
      %dma_start3A_19 = tpu.memref_squeeze %dma_start3A_18 : memref<1x1x625x128xf32, #tpu.memory_space<hbm>> -> memref<625x128xf32, #tpu.memory_space<hbm>>
      %dma_start3A_20 = arith.constant 0 : i32
      %dma_start3A_21 = tpu.memref_slice %arg9[%mul3A_16, %dma_start3A_20] : memref<10000x128xf32, #tpu.memory_space<vmem_shared>> -> memref<625x128xf32, #tpu.memory_space<vmem_shared>>
      tpu.enqueue_dma source(%dma_start3A_21 : memref<625x128xf32, #tpu.memory_space<vmem_shared>>) target(%dma_start3A_19 : memref<625x128xf32, #tpu.memory_space<hbm>>) target_semaphore(%run_scoped3A : memref<!tpu.dma_semaphore, #tpu.memory_space<semaphore_mem>>)
      %dma_wait3A = arith.constant 0 : i32
      %dma_wait3A_22 = arith.constant 0 : i32
      %dma_wait3A_23 = tpu.memref_slice %arg5[%arg0, %arg1, %dma_wait3A, %dma_wait3A_22] : memref<2x16x625x128xf32, #tpu.memory_space<hbm>> -> memref<1x1x625x128xf32, #tpu.memory_space<hbm>>
      %dma_wait3A_24 = tpu.memref_squeeze %dma_wait3A_23 : memref<1x1x625x128xf32, #tpu.memory_space<hbm>> -> memref<625x128xf32, #tpu.memory_space<hbm>>
      %dma_wait3A_25 = arith.constant 0 : i32
      %dma_wait3A_26 = tpu.memref_slice %arg9[%mul3A_16, %dma_wait3A_25] : memref<10000x128xf32, #tpu.memory_space<vmem_shared>> -> memref<625x128xf32, #tpu.memory_space<vmem_shared>>
      tpu.wait_dma2 semaphore(%run_scoped3A : memref<!tpu.dma_semaphore, #tpu.memory_space<semaphore_mem>>) src(%dma_wait3A_26 : memref<625x128xf32, #tpu.memory_space<vmem_shared>>) dst(%dma_wait3A_24 : memref<625x128xf32, #tpu.memory_space<hbm>>)
      tpu.yield
    }) : () -> ()
    return
  }
}

#map = affine_map<(d0, d1) -> (0, 0)>
#map1 = affine_map<(d0, d1) -> (0, 0, 0)>
#map2 = affine_map<(d0, d1) -> (0, 0, 0, 0)>
module attributes {stable_mosaic.version = 14 : i64} {
  func.func @sage_sc_agg(%arg0: i32, %arg1: i32, %arg2: memref<10000x128xf32, #tpu.memory_space<hbm>>, %arg3: memref<32x125x80xi32, #tpu.memory_space<hbm>>, %arg4: memref<32x125x80xi32, #tpu.memory_space<hbm>>, %arg5: memref<625x128xf32, #tpu.memory_space<hbm>>, %arg6: memref<2x16x625x128xf32, #tpu.memory_space<hbm>>, %arg7: memref<125x80xi32, #tpu.memory_space<vmem>>, %arg8: memref<80xi32, #tpu.memory_space<vmem>>, %arg9: memref<80xi32, #tpu.memory_space<vmem>>, %arg10: memref<80x128xf32, #tpu.memory_space<vmem>>, %arg11: memref<80x128xf32, #tpu.memory_space<vmem>>, %arg12: memref<!tpu.dma_semaphore, #tpu.memory_space<semaphore_mem>>, %arg13: memref<!tpu.dma_semaphore, #tpu.memory_space<semaphore_mem>>, %arg14: memref<!tpu.dma_semaphore, #tpu.memory_space<semaphore_mem>>, %arg15: memref<!tpu.dma_semaphore, #tpu.memory_space<semaphore_mem>>, %arg16: memref<10000x128xf32, #tpu.memory_space<vmem_shared>>) attributes {dimension_semantics = [#tpu.dimension_semantics<core_parallel>, #tpu.dimension_semantics<subcore_parallel>], iteration_bounds = array<i64: 2, 16>, scalar_prefetch = 0 : i64, scratch_operands = 10 : i64, tpu.core_type = #tpu.core_type<sc_vector_subcore>, window_params = [{transform_indices = #map}, {transform_indices = #map1}, {transform_indices = #map1}, {transform_indices = #map}, {transform_indices = #map2}]} {
    %mul3A = arith.constant 16 : i32
    %mul3A_0 = arith.muli %arg0, %mul3A : i32
    %add3A = arith.addi %mul3A_0, %arg1 : i32
    %mul3A_1 = arith.constant 625 : i32
    %mul3A_2 = arith.muli %arg1, %mul3A_1 : i32
    "tpu.region"() ({
      %run_scoped3A = tpu.sem_alloc : memref<!tpu.dma_semaphore, #tpu.memory_space<semaphore_mem>>
      %dma_start3A_54 = arith.constant 0 : i32
      %dma_start3A_55 = tpu.memref_slice %arg16[%mul3A_2, %dma_start3A_54] : memref<10000x128xf32, #tpu.memory_space<vmem_shared>> -> memref<625x128xf32, #tpu.memory_space<vmem_shared>>
      tpu.enqueue_dma source(%arg5 : memref<625x128xf32, #tpu.memory_space<hbm>>) target(%dma_start3A_55 : memref<625x128xf32, #tpu.memory_space<vmem_shared>>) target_semaphore(%run_scoped3A : memref<!tpu.dma_semaphore, #tpu.memory_space<semaphore_mem>>)
      %dma_wait3A_56 = arith.constant 0 : i32
      %dma_wait3A_57 = tpu.memref_slice %arg16[%mul3A_2, %dma_wait3A_56] : memref<10000x128xf32, #tpu.memory_space<vmem_shared>> -> memref<625x128xf32, #tpu.memory_space<vmem_shared>>
      tpu.wait_dma2 semaphore(%run_scoped3A : memref<!tpu.dma_semaphore, #tpu.memory_space<semaphore_mem>>) src(%arg5 : memref<625x128xf32, #tpu.memory_space<hbm>>) dst(%dma_wait3A_57 : memref<625x128xf32, #tpu.memory_space<vmem_shared>>)
      tpu.yield
    }) : () -> ()
    "tpu.region"() ({
      %run_scoped3A = tpu.sem_alloc : memref<!tpu.dma_semaphore, #tpu.memory_space<semaphore_mem>>
      %dma_start3A_54 = arith.constant 0 : i32
      %dma_start3A_55 = arith.constant 0 : i32
      %dma_start3A_56 = tpu.memref_slice %arg3[%add3A, %dma_start3A_54, %dma_start3A_55] : memref<32x125x80xi32, #tpu.memory_space<hbm>> -> memref<1x125x80xi32, #tpu.memory_space<hbm>>
      %dma_start3A_57 = tpu.memref_squeeze %dma_start3A_56 : memref<1x125x80xi32, #tpu.memory_space<hbm>> -> memref<125x80xi32, #tpu.memory_space<hbm>>
      %dma_start3A_58 = arith.constant 0 : i32
      %dma_start3A_59 = arith.constant 0 : i32
      %dma_start3A_60 = tpu.memref_slice %arg3[%add3A, %dma_start3A_58, %dma_start3A_59] : memref<32x125x80xi32, #tpu.memory_space<hbm>> -> memref<1x125x80xi32, #tpu.memory_space<hbm>>
      %dma_start3A_61 = tpu.memref_squeeze %dma_start3A_60 : memref<1x125x80xi32, #tpu.memory_space<hbm>> -> memref<125x80xi32, #tpu.memory_space<hbm>>
      tpu.enqueue_dma source(%dma_start3A_61 : memref<125x80xi32, #tpu.memory_space<hbm>>) target(%arg7 : memref<125x80xi32, #tpu.memory_space<vmem>>) target_semaphore(%run_scoped3A : memref<!tpu.dma_semaphore, #tpu.memory_space<semaphore_mem>>)
      %dma_wait3A_62 = arith.constant 0 : i32
      %dma_wait3A_63 = arith.constant 0 : i32
      %dma_wait3A_64 = tpu.memref_slice %arg3[%add3A, %dma_wait3A_62, %dma_wait3A_63] : memref<32x125x80xi32, #tpu.memory_space<hbm>> -> memref<1x125x80xi32, #tpu.memory_space<hbm>>
      %dma_wait3A_65 = tpu.memref_squeeze %dma_wait3A_64 : memref<1x125x80xi32, #tpu.memory_space<hbm>> -> memref<125x80xi32, #tpu.memory_space<hbm>>
      %dma_wait3A_66 = arith.constant 0 : i32
      %dma_wait3A_67 = arith.constant 0 : i32
      %dma_wait3A_68 = tpu.memref_slice %arg3[%add3A, %dma_wait3A_66, %dma_wait3A_67] : memref<32x125x80xi32, #tpu.memory_space<hbm>> -> memref<1x125x80xi32, #tpu.memory_space<hbm>>
      %dma_wait3A_69 = tpu.memref_squeeze %dma_wait3A_68 : memref<1x125x80xi32, #tpu.memory_space<hbm>> -> memref<125x80xi32, #tpu.memory_space<hbm>>
      tpu.wait_dma2 semaphore(%run_scoped3A : memref<!tpu.dma_semaphore, #tpu.memory_space<semaphore_mem>>) src(%dma_wait3A_69 : memref<125x80xi32, #tpu.memory_space<hbm>>) dst(%arg7 : memref<125x80xi32, #tpu.memory_space<vmem>>)
      tpu.yield
    }) : () -> ()
    %barrier3A = arith.constant 0 : index
    tpu.barrier barrier_id(%barrier3A)
    %min3A = arith.constant 0 : i32
    %min3A_3 = arith.constant 124 : i32
    %min3A_4 = arith.minsi %min3A, %min3A_3 : i32
    %dma_start3A = arith.constant 0 : i32
    %dma_start3A_5 = tpu.memref_slice %arg4[%add3A, %min3A_4, %dma_start3A] : memref<32x125x80xi32, #tpu.memory_space<hbm>> -> memref<1x1x80xi32, #tpu.memory_space<hbm>>
    %dma_start3A_6 = tpu.memref_squeeze %dma_start3A_5 : memref<1x1x80xi32, #tpu.memory_space<hbm>> -> memref<80xi32, #tpu.memory_space<hbm>>
    %dma_start3A_7 = arith.constant 0 : i32
    %dma_start3A_8 = tpu.memref_slice %arg4[%add3A, %min3A_4, %dma_start3A_7] : memref<32x125x80xi32, #tpu.memory_space<hbm>> -> memref<1x1x80xi32, #tpu.memory_space<hbm>>
    %dma_start3A_9 = tpu.memref_squeeze %dma_start3A_8 : memref<1x1x80xi32, #tpu.memory_space<hbm>> -> memref<80xi32, #tpu.memory_space<hbm>>
    tpu.enqueue_dma source(%dma_start3A_9 : memref<80xi32, #tpu.memory_space<hbm>>) target(%arg8 : memref<80xi32, #tpu.memory_space<vmem>>) target_semaphore(%arg14 : memref<!tpu.dma_semaphore, #tpu.memory_space<semaphore_mem>>)
    %dma_start3A_10 = arith.constant 0 : i32
    %dma_start3A_11 = arith.constant 0 : i32
    %dma_start3A_12 = tpu.memref_slice %arg7[%dma_start3A_10, %dma_start3A_11] : memref<125x80xi32, #tpu.memory_space<vmem>> -> memref<1x80xi32, #tpu.memory_space<vmem>>
    %dma_start3A_13 = tpu.memref_squeeze %dma_start3A_12 : memref<1x80xi32, #tpu.memory_space<vmem>> -> memref<80xi32, #tpu.memory_space<vmem>>
    %dma_start3A_14 = arith.constant 0 : i32
    %dma_start3A_15 = arith.constant 0 : i32
    %dma_start3A_16 = tpu.memref_slice %arg2[%dma_start3A_14, %dma_start3A_15] : memref<10000x128xf32, #tpu.memory_space<hbm>> -> memref<10000x128xf32, #tpu.memory_space<hbm>>
    tpu.enqueue_indirect_dma source(%dma_start3A_16 : memref<10000x128xf32, #tpu.memory_space<hbm>>) target(%arg10 : memref<80x128xf32, #tpu.memory_space<vmem>>) offsets(%dma_start3A_13 : memref<80xi32, #tpu.memory_space<vmem>>) semaphore(%arg12 : memref<!tpu.dma_semaphore, #tpu.memory_space<semaphore_mem>>)
    %min3A_17 = arith.constant 1 : i32
    %min3A_18 = arith.constant 124 : i32
    %min3A_19 = arith.minsi %min3A_17, %min3A_18 : i32
    %dma_start3A_20 = arith.constant 0 : i32
    %dma_start3A_21 = tpu.memref_slice %arg4[%add3A, %min3A_19, %dma_start3A_20] : memref<32x125x80xi32, #tpu.memory_space<hbm>> -> memref<1x1x80xi32, #tpu.memory_space<hbm>>
    %dma_start3A_22 = tpu.memref_squeeze %dma_start3A_21 : memref<1x1x80xi32, #tpu.memory_space<hbm>> -> memref<80xi32, #tpu.memory_space<hbm>>
    %dma_start3A_23 = arith.constant 0 : i32
    %dma_start3A_24 = tpu.memref_slice %arg4[%add3A, %min3A_19, %dma_start3A_23] : memref<32x125x80xi32, #tpu.memory_space<hbm>> -> memref<1x1x80xi32, #tpu.memory_space<hbm>>
    %dma_start3A_25 = tpu.memref_squeeze %dma_start3A_24 : memref<1x1x80xi32, #tpu.memory_space<hbm>> -> memref<80xi32, #tpu.memory_space<hbm>>
    tpu.enqueue_dma source(%dma_start3A_25 : memref<80xi32, #tpu.memory_space<hbm>>) target(%arg9 : memref<80xi32, #tpu.memory_space<vmem>>) target_semaphore(%arg15 : memref<!tpu.dma_semaphore, #tpu.memory_space<semaphore_mem>>)
    %scan3A = arith.constant 0 : i32
    %scan3A_26 = arith.constant 0 : i32
    %scan3A_27 = arith.constant 62 : i32
    %scan3A_28 = arith.addi %scan3A_26, %scan3A_27 : i32
    %scan3A_29 = arith.constant 1 : i32
    scf.for %scan3A_54 = %scan3A_26 to %scan3A_28 step %scan3A_29  : i32 {
      %mul3A_55 = arith.constant 2 : i32
      %mul3A_56 = arith.muli %mul3A_55, %scan3A_54 : i32
      %add3A_57 = arith.constant 1 : i32
      %add3A_58 = arith.addi %mul3A_56, %add3A_57 : i32
      %dma_start3A_59 = arith.constant 0 : i32
      %dma_start3A_60 = tpu.memref_slice %arg7[%add3A_58, %dma_start3A_59] : memref<125x80xi32, #tpu.memory_space<vmem>> -> memref<1x80xi32, #tpu.memory_space<vmem>>
      %dma_start3A_61 = tpu.memref_squeeze %dma_start3A_60 : memref<1x80xi32, #tpu.memory_space<vmem>> -> memref<80xi32, #tpu.memory_space<vmem>>
      %dma_start3A_62 = arith.constant 0 : i32
      %dma_start3A_63 = arith.constant 0 : i32
      %dma_start3A_64 = tpu.memref_slice %arg2[%dma_start3A_62, %dma_start3A_63] : memref<10000x128xf32, #tpu.memory_space<hbm>> -> memref<10000x128xf32, #tpu.memory_space<hbm>>
      tpu.enqueue_indirect_dma source(%dma_start3A_64 : memref<10000x128xf32, #tpu.memory_space<hbm>>) target(%arg11 : memref<80x128xf32, #tpu.memory_space<vmem>>) offsets(%dma_start3A_61 : memref<80xi32, #tpu.memory_space<vmem>>) semaphore(%arg13 : memref<!tpu.dma_semaphore, #tpu.memory_space<semaphore_mem>>)
      %dma_wait3A_65 = arith.constant 0 : i32
      %dma_wait3A_66 = arith.constant 0 : i32
      %dma_wait3A_67 = tpu.memref_slice %arg7[%dma_wait3A_65, %dma_wait3A_66] : memref<125x80xi32, #tpu.memory_space<vmem>> -> memref<1x80xi32, #tpu.memory_space<vmem>>
      %dma_wait3A_68 = tpu.memref_squeeze %dma_wait3A_67 : memref<1x80xi32, #tpu.memory_space<vmem>> -> memref<80xi32, #tpu.memory_space<vmem>>
      %dma_wait3A_69 = arith.constant 0 : i32
      %dma_wait3A_70 = arith.constant 0 : i32
      %dma_wait3A_71 = tpu.memref_slice %arg2[%dma_wait3A_69, %dma_wait3A_70] : memref<10000x128xf32, #tpu.memory_space<hbm>> -> memref<10000x128xf32, #tpu.memory_space<hbm>>
      tpu.wait_indirect_dma semaphore(%arg12 : memref<!tpu.dma_semaphore, #tpu.memory_space<semaphore_mem>>) src(%dma_wait3A_71 : memref<10000x128xf32, #tpu.memory_space<hbm>>) dst(%arg10 : memref<80x128xf32, #tpu.memory_space<vmem>>)
      %dma_wait3A_72 = arith.constant 0 : i32
      %dma_wait3A_73 = arith.constant 0 : i32
      %dma_wait3A_74 = tpu.memref_slice %arg4[%add3A, %dma_wait3A_72, %dma_wait3A_73] : memref<32x125x80xi32, #tpu.memory_space<hbm>> -> memref<1x1x80xi32, #tpu.memory_space<hbm>>
      %dma_wait3A_75 = tpu.memref_squeeze %dma_wait3A_74 : memref<1x1x80xi32, #tpu.memory_space<hbm>> -> memref<80xi32, #tpu.memory_space<hbm>>
      %dma_wait3A_76 = arith.constant 0 : i32
      %dma_wait3A_77 = tpu.memref_slice %arg4[%add3A, %dma_wait3A_72, %dma_wait3A_76] : memref<32x125x80xi32, #tpu.memory_space<hbm>> -> memref<1x1x80xi32, #tpu.memory_space<hbm>>
      %dma_wait3A_78 = tpu.memref_squeeze %dma_wait3A_77 : memref<1x1x80xi32, #tpu.memory_space<hbm>> -> memref<80xi32, #tpu.memory_space<hbm>>
      tpu.wait_dma2 semaphore(%arg14 : memref<!tpu.dma_semaphore, #tpu.memory_space<semaphore_mem>>) src(%dma_wait3A_78 : memref<80xi32, #tpu.memory_space<hbm>>) dst(%arg8 : memref<80xi32, #tpu.memory_space<vmem>>)
      "tpu.region"() ({
        %run_scoped3A = tpu.sem_alloc : memref<!tpu.dma_semaphore, #tpu.memory_space<semaphore_mem>>
        %dma_start3A_127 = arith.constant 0 : i32
        %dma_start3A_128 = arith.constant 0 : i32
        %dma_start3A_129 = tpu.memref_slice %arg16[%dma_start3A_127, %dma_start3A_128] : memref<10000x128xf32, #tpu.memory_space<vmem_shared>> -> memref<10000x128xf32, #tpu.memory_space<vmem_shared>>
        tpu.enqueue_indirect_dma source(%arg10 : memref<80x128xf32, #tpu.memory_space<vmem>>) target(%dma_start3A_129 : memref<10000x128xf32, #tpu.memory_space<vmem_shared>>) offsets(%arg8 : memref<80xi32, #tpu.memory_space<vmem>>) semaphore(%run_scoped3A : memref<!tpu.dma_semaphore, #tpu.memory_space<semaphore_mem>>) {add = true}
        %dma_wait3A_130 = arith.constant 0 : i32
        %dma_wait3A_131 = arith.constant 0 : i32
        %dma_wait3A_132 = tpu.memref_slice %arg16[%dma_wait3A_130, %dma_wait3A_131] : memref<10000x128xf32, #tpu.memory_space<vmem_shared>> -> memref<10000x128xf32, #tpu.memory_space<vmem_shared>>
        tpu.wait_indirect_dma semaphore(%run_scoped3A : memref<!tpu.dma_semaphore, #tpu.memory_space<semaphore_mem>>) src(%arg10 : memref<80x128xf32, #tpu.memory_space<vmem>>) dst(%dma_wait3A_132 : memref<10000x128xf32, #tpu.memory_space<vmem_shared>>)
        tpu.yield
      }) : () -> ()
      %mul3A_79 = arith.constant 2 : i32
      %mul3A_80 = arith.muli %mul3A_79, %scan3A_54 : i32
      %add3A_81 = arith.constant 2 : i32
      %add3A_82 = arith.addi %mul3A_80, %add3A_81 : i32
      %dma_start3A_83 = arith.constant 0 : i32
      %dma_start3A_84 = tpu.memref_slice %arg7[%add3A_82, %dma_start3A_83] : memref<125x80xi32, #tpu.memory_space<vmem>> -> memref<1x80xi32, #tpu.memory_space<vmem>>
      %dma_start3A_85 = tpu.memref_squeeze %dma_start3A_84 : memref<1x80xi32, #tpu.memory_space<vmem>> -> memref<80xi32, #tpu.memory_space<vmem>>
      %dma_start3A_86 = arith.constant 0 : i32
      %dma_start3A_87 = arith.constant 0 : i32
      %dma_start3A_88 = tpu.memref_slice %arg2[%dma_start3A_86, %dma_start3A_87] : memref<10000x128xf32, #tpu.memory_space<hbm>> -> memref<10000x128xf32, #tpu.memory_space<hbm>>
      tpu.enqueue_indirect_dma source(%dma_start3A_88 : memref<10000x128xf32, #tpu.memory_space<hbm>>) target(%arg10 : memref<80x128xf32, #tpu.memory_space<vmem>>) offsets(%dma_start3A_85 : memref<80xi32, #tpu.memory_space<vmem>>) semaphore(%arg12 : memref<!tpu.dma_semaphore, #tpu.memory_space<semaphore_mem>>)
      %mul3A_89 = arith.constant 2 : i32
      %mul3A_90 = arith.muli %mul3A_89, %scan3A_54 : i32
      %add3A_91 = arith.constant 2 : i32
      %add3A_92 = arith.addi %mul3A_90, %add3A_91 : i32
      %min3A_93 = arith.constant 124 : i32
      %min3A_94 = arith.minsi %add3A_92, %min3A_93 : i32
      %dma_start3A_95 = arith.constant 0 : i32
      %dma_start3A_96 = tpu.memref_slice %arg4[%add3A, %min3A_94, %dma_start3A_95] : memref<32x125x80xi32, #tpu.memory_space<hbm>> -> memref<1x1x80xi32, #tpu.memory_space<hbm>>
      %dma_start3A_97 = tpu.memref_squeeze %dma_start3A_96 : memref<1x1x80xi32, #tpu.memory_space<hbm>> -> memref<80xi32, #tpu.memory_space<hbm>>
      %dma_start3A_98 = arith.constant 0 : i32
      %dma_start3A_99 = tpu.memref_slice %arg4[%add3A, %min3A_94, %dma_start3A_98] : memref<32x125x80xi32, #tpu.memory_space<hbm>> -> memref<1x1x80xi32, #tpu.memory_space<hbm>>
      %dma_start3A_100 = tpu.memref_squeeze %dma_start3A_99 : memref<1x1x80xi32, #tpu.memory_space<hbm>> -> memref<80xi32, #tpu.memory_space<hbm>>
      tpu.enqueue_dma source(%dma_start3A_100 : memref<80xi32, #tpu.memory_space<hbm>>) target(%arg8 : memref<80xi32, #tpu.memory_space<vmem>>) target_semaphore(%arg14 : memref<!tpu.dma_semaphore, #tpu.memory_space<semaphore_mem>>)
      %dma_wait3A_101 = arith.constant 0 : i32
      %dma_wait3A_102 = arith.constant 0 : i32
      %dma_wait3A_103 = tpu.memref_slice %arg7[%dma_wait3A_101, %dma_wait3A_102] : memref<125x80xi32, #tpu.memory_space<vmem>> -> memref<1x80xi32, #tpu.memory_space<vmem>>
      %dma_wait3A_104 = tpu.memref_squeeze %dma_wait3A_103 : memref<1x80xi32, #tpu.memory_space<vmem>> -> memref<80xi32, #tpu.memory_space<vmem>>
      %dma_wait3A_105 = arith.constant 0 : i32
      %dma_wait3A_106 = arith.constant 0 : i32
      %dma_wait3A_107 = tpu.memref_slice %arg2[%dma_wait3A_105, %dma_wait3A_106] : memref<10000x128xf32, #tpu.memory_space<hbm>> -> memref<10000x128xf32, #tpu.memory_space<hbm>>
      tpu.wait_indirect_dma semaphore(%arg13 : memref<!tpu.dma_semaphore, #tpu.memory_space<semaphore_mem>>) src(%dma_wait3A_107 : memref<10000x128xf32, #tpu.memory_space<hbm>>) dst(%arg11 : memref<80x128xf32, #tpu.memory_space<vmem>>)
      %dma_wait3A_108 = arith.constant 0 : i32
      %dma_wait3A_109 = arith.constant 0 : i32
      %dma_wait3A_110 = tpu.memref_slice %arg4[%add3A, %dma_wait3A_108, %dma_wait3A_109] : memref<32x125x80xi32, #tpu.memory_space<hbm>> -> memref<1x1x80xi32, #tpu.memory_space<hbm>>
      %dma_wait3A_111 = tpu.memref_squeeze %dma_wait3A_110 : memref<1x1x80xi32, #tpu.memory_space<hbm>> -> memref<80xi32, #tpu.memory_space<hbm>>
      %dma_wait3A_112 = arith.constant 0 : i32
      %dma_wait3A_113 = tpu.memref_slice %arg4[%add3A, %dma_wait3A_108, %dma_wait3A_112] : memref<32x125x80xi32, #tpu.memory_space<hbm>> -> memref<1x1x80xi32, #tpu.memory_space<hbm>>
      %dma_wait3A_114 = tpu.memref_squeeze %dma_wait3A_113 : memref<1x1x80xi32, #tpu.memory_space<hbm>> -> memref<80xi32, #tpu.memory_space<hbm>>
      tpu.wait_dma2 semaphore(%arg15 : memref<!tpu.dma_semaphore, #tpu.memory_space<semaphore_mem>>) src(%dma_wait3A_114 : memref<80xi32, #tpu.memory_space<hbm>>) dst(%arg9 : memref<80xi32, #tpu.memory_space<vmem>>)
      "tpu.region"() ({
        %run_scoped3A = tpu.sem_alloc : memref<!tpu.dma_semaphore, #tpu.memory_space<semaphore_mem>>
        %dma_start3A_127 = arith.constant 0 : i32
        %dma_start3A_128 = arith.constant 0 : i32
        %dma_start3A_129 = tpu.memref_slice %arg16[%dma_start3A_127, %dma_start3A_128] : memref<10000x128xf32, #tpu.memory_space<vmem_shared>> -> memref<10000x128xf32, #tpu.memory_space<vmem_shared>>
        tpu.enqueue_indirect_dma source(%arg11 : memref<80x128xf32, #tpu.memory_space<vmem>>) target(%dma_start3A_129 : memref<10000x128xf32, #tpu.memory_space<vmem_shared>>) offsets(%arg9 : memref<80xi32, #tpu.memory_space<vmem>>) semaphore(%run_scoped3A : memref<!tpu.dma_semaphore, #tpu.memory_space<semaphore_mem>>) {add = true}
        %dma_wait3A_130 = arith.constant 0 : i32
        %dma_wait3A_131 = arith.constant 0 : i32
        %dma_wait3A_132 = tpu.memref_slice %arg16[%dma_wait3A_130, %dma_wait3A_131] : memref<10000x128xf32, #tpu.memory_space<vmem_shared>> -> memref<10000x128xf32, #tpu.memory_space<vmem_shared>>
        tpu.wait_indirect_dma semaphore(%run_scoped3A : memref<!tpu.dma_semaphore, #tpu.memory_space<semaphore_mem>>) src(%arg11 : memref<80x128xf32, #tpu.memory_space<vmem>>) dst(%dma_wait3A_132 : memref<10000x128xf32, #tpu.memory_space<vmem_shared>>)
        tpu.yield
      }) : () -> ()
      %mul3A_115 = arith.constant 2 : i32
      %mul3A_116 = arith.muli %mul3A_115, %scan3A_54 : i32
      %add3A_117 = arith.constant 3 : i32
      %add3A_118 = arith.addi %mul3A_116, %add3A_117 : i32
      %min3A_119 = arith.constant 124 : i32
      %min3A_120 = arith.minsi %add3A_118, %min3A_119 : i32
      %dma_start3A_121 = arith.constant 0 : i32
      %dma_start3A_122 = tpu.memref_slice %arg4[%add3A, %min3A_120, %dma_start3A_121] : memref<32x125x80xi32, #tpu.memory_space<hbm>> -> memref<1x1x80xi32, #tpu.memory_space<hbm>>
      %dma_start3A_123 = tpu.memref_squeeze %dma_start3A_122 : memref<1x1x80xi32, #tpu.memory_space<hbm>> -> memref<80xi32, #tpu.memory_space<hbm>>
      %dma_start3A_124 = arith.constant 0 : i32
      %dma_start3A_125 = tpu.memref_slice %arg4[%add3A, %min3A_120, %dma_start3A_124] : memref<32x125x80xi32, #tpu.memory_space<hbm>> -> memref<1x1x80xi32, #tpu.memory_space<hbm>>
      %dma_start3A_126 = tpu.memref_squeeze %dma_start3A_125 : memref<1x1x80xi32, #tpu.memory_space<hbm>> -> memref<80xi32, #tpu.memory_space<hbm>>
      tpu.enqueue_dma source(%dma_start3A_126 : memref<80xi32, #tpu.memory_space<hbm>>) target(%arg9 : memref<80xi32, #tpu.memory_space<vmem>>) target_semaphore(%arg15 : memref<!tpu.dma_semaphore, #tpu.memory_space<semaphore_mem>>)
    }
    %scan3A_30 = arith.constant 62 : i32
    %dma_wait3A = arith.constant 0 : i32
    %dma_wait3A_31 = arith.constant 0 : i32
    %dma_wait3A_32 = tpu.memref_slice %arg7[%dma_wait3A, %dma_wait3A_31] : memref<125x80xi32, #tpu.memory_space<vmem>> -> memref<1x80xi32, #tpu.memory_space<vmem>>
    %dma_wait3A_33 = tpu.memref_squeeze %dma_wait3A_32 : memref<1x80xi32, #tpu.memory_space<vmem>> -> memref<80xi32, #tpu.memory_space<vmem>>
    %dma_wait3A_34 = arith.constant 0 : i32
    %dma_wait3A_35 = arith.constant 0 : i32
    %dma_wait3A_36 = tpu.memref_slice %arg2[%dma_wait3A_34, %dma_wait3A_35] : memref<10000x128xf32, #tpu.memory_space<hbm>> -> memref<10000x128xf32, #tpu.memory_space<hbm>>
    tpu.wait_indirect_dma semaphore(%arg12 : memref<!tpu.dma_semaphore, #tpu.memory_space<semaphore_mem>>) src(%dma_wait3A_36 : memref<10000x128xf32, #tpu.memory_space<hbm>>) dst(%arg10 : memref<80x128xf32, #tpu.memory_space<vmem>>)
    %dma_wait3A_37 = arith.constant 0 : i32
    %dma_wait3A_38 = arith.constant 0 : i32
    %dma_wait3A_39 = tpu.memref_slice %arg4[%add3A, %dma_wait3A_37, %dma_wait3A_38] : memref<32x125x80xi32, #tpu.memory_space<hbm>> -> memref<1x1x80xi32, #tpu.memory_space<hbm>>
    %dma_wait3A_40 = tpu.memref_squeeze %dma_wait3A_39 : memref<1x1x80xi32, #tpu.memory_space<hbm>> -> memref<80xi32, #tpu.memory_space<hbm>>
    %dma_wait3A_41 = arith.constant 0 : i32
    %dma_wait3A_42 = tpu.memref_slice %arg4[%add3A, %dma_wait3A_37, %dma_wait3A_41] : memref<32x125x80xi32, #tpu.memory_space<hbm>> -> memref<1x1x80xi32, #tpu.memory_space<hbm>>
    %dma_wait3A_43 = tpu.memref_squeeze %dma_wait3A_42 : memref<1x1x80xi32, #tpu.memory_space<hbm>> -> memref<80xi32, #tpu.memory_space<hbm>>
    tpu.wait_dma2 semaphore(%arg14 : memref<!tpu.dma_semaphore, #tpu.memory_space<semaphore_mem>>) src(%dma_wait3A_43 : memref<80xi32, #tpu.memory_space<hbm>>) dst(%arg8 : memref<80xi32, #tpu.memory_space<vmem>>)
    "tpu.region"() ({
      %run_scoped3A = tpu.sem_alloc : memref<!tpu.dma_semaphore, #tpu.memory_space<semaphore_mem>>
      %dma_start3A_54 = arith.constant 0 : i32
      %dma_start3A_55 = arith.constant 0 : i32
      %dma_start3A_56 = tpu.memref_slice %arg16[%dma_start3A_54, %dma_start3A_55] : memref<10000x128xf32, #tpu.memory_space<vmem_shared>> -> memref<10000x128xf32, #tpu.memory_space<vmem_shared>>
      tpu.enqueue_indirect_dma source(%arg10 : memref<80x128xf32, #tpu.memory_space<vmem>>) target(%dma_start3A_56 : memref<10000x128xf32, #tpu.memory_space<vmem_shared>>) offsets(%arg8 : memref<80xi32, #tpu.memory_space<vmem>>) semaphore(%run_scoped3A : memref<!tpu.dma_semaphore, #tpu.memory_space<semaphore_mem>>) {add = true}
      %dma_wait3A_57 = arith.constant 0 : i32
      %dma_wait3A_58 = arith.constant 0 : i32
      %dma_wait3A_59 = tpu.memref_slice %arg16[%dma_wait3A_57, %dma_wait3A_58] : memref<10000x128xf32, #tpu.memory_space<vmem_shared>> -> memref<10000x128xf32, #tpu.memory_space<vmem_shared>>
      tpu.wait_indirect_dma semaphore(%run_scoped3A : memref<!tpu.dma_semaphore, #tpu.memory_space<semaphore_mem>>) src(%arg10 : memref<80x128xf32, #tpu.memory_space<vmem>>) dst(%dma_wait3A_59 : memref<10000x128xf32, #tpu.memory_space<vmem_shared>>)
      tpu.yield
    }) : () -> ()
    %dma_wait3A_44 = arith.constant 0 : i32
    %dma_wait3A_45 = arith.constant 0 : i32
    %dma_wait3A_46 = tpu.memref_slice %arg4[%add3A, %dma_wait3A_44, %dma_wait3A_45] : memref<32x125x80xi32, #tpu.memory_space<hbm>> -> memref<1x1x80xi32, #tpu.memory_space<hbm>>
    %dma_wait3A_47 = tpu.memref_squeeze %dma_wait3A_46 : memref<1x1x80xi32, #tpu.memory_space<hbm>> -> memref<80xi32, #tpu.memory_space<hbm>>
    %dma_wait3A_48 = arith.constant 0 : i32
    %dma_wait3A_49 = tpu.memref_slice %arg4[%add3A, %dma_wait3A_44, %dma_wait3A_48] : memref<32x125x80xi32, #tpu.memory_space<hbm>> -> memref<1x1x80xi32, #tpu.memory_space<hbm>>
    %dma_wait3A_50 = tpu.memref_squeeze %dma_wait3A_49 : memref<1x1x80xi32, #tpu.memory_space<hbm>> -> memref<80xi32, #tpu.memory_space<hbm>>
    tpu.wait_dma2 semaphore(%arg15 : memref<!tpu.dma_semaphore, #tpu.memory_space<semaphore_mem>>) src(%dma_wait3A_50 : memref<80xi32, #tpu.memory_space<hbm>>) dst(%arg9 : memref<80xi32, #tpu.memory_space<vmem>>)
    %barrier3A_51 = arith.constant 0 : index
    tpu.barrier barrier_id(%barrier3A_51)
    %mul3A_52 = arith.constant 625 : i32
    %mul3A_53 = arith.muli %arg1, %mul3A_52 : i32
    "tpu.region"() ({
      %run_scoped3A = tpu.sem_alloc : memref<!tpu.dma_semaphore, #tpu.memory_space<semaphore_mem>>
      %dma_start3A_54 = arith.constant 0 : i32
      %dma_start3A_55 = arith.constant 0 : i32
      %dma_start3A_56 = tpu.memref_slice %arg6[%arg0, %arg1, %dma_start3A_54, %dma_start3A_55] : memref<2x16x625x128xf32, #tpu.memory_space<hbm>> -> memref<1x1x625x128xf32, #tpu.memory_space<hbm>>
      %dma_start3A_57 = tpu.memref_squeeze %dma_start3A_56 : memref<1x1x625x128xf32, #tpu.memory_space<hbm>> -> memref<625x128xf32, #tpu.memory_space<hbm>>
      %dma_start3A_58 = arith.constant 0 : i32
      %dma_start3A_59 = tpu.memref_slice %arg16[%mul3A_53, %dma_start3A_58] : memref<10000x128xf32, #tpu.memory_space<vmem_shared>> -> memref<625x128xf32, #tpu.memory_space<vmem_shared>>
      tpu.enqueue_dma source(%dma_start3A_59 : memref<625x128xf32, #tpu.memory_space<vmem_shared>>) target(%dma_start3A_57 : memref<625x128xf32, #tpu.memory_space<hbm>>) target_semaphore(%run_scoped3A : memref<!tpu.dma_semaphore, #tpu.memory_space<semaphore_mem>>)
      %dma_wait3A_60 = arith.constant 0 : i32
      %dma_wait3A_61 = arith.constant 0 : i32
      %dma_wait3A_62 = tpu.memref_slice %arg6[%arg0, %arg1, %dma_wait3A_60, %dma_wait3A_61] : memref<2x16x625x128xf32, #tpu.memory_space<hbm>> -> memref<1x1x625x128xf32, #tpu.memory_space<hbm>>
      %dma_wait3A_63 = tpu.memref_squeeze %dma_wait3A_62 : memref<1x1x625x128xf32, #tpu.memory_space<hbm>> -> memref<625x128xf32, #tpu.memory_space<hbm>>
      %dma_wait3A_64 = arith.constant 0 : i32
      %dma_wait3A_65 = tpu.memref_slice %arg16[%mul3A_53, %dma_wait3A_64] : memref<10000x128xf32, #tpu.memory_space<vmem_shared>> -> memref<625x128xf32, #tpu.memory_space<vmem_shared>>
      tpu.wait_dma2 semaphore(%run_scoped3A : memref<!tpu.dma_semaphore, #tpu.memory_space<semaphore_mem>>) src(%dma_wait3A_65 : memref<625x128xf32, #tpu.memory_space<vmem_shared>>) dst(%dma_wait3A_63 : memref<625x128xf32, #tpu.memory_space<hbm>>)
      tpu.yield
    }) : () -> ()
    return
  }
}

#map = affine_map<(d0, d1) -> (0, 0)>
#map1 = affine_map<(d0, d1) -> (0, 0, 0)>
#map2 = affine_map<(d0, d1) -> (0, 0, 0, 0)>
module attributes {stable_mosaic.version = 14 : i64} {
  func.func @sage_sc_agg(%arg0: i32, %arg1: i32, %arg2: memref<10000x128xf32, #tpu.memory_space<hbm>>, %arg3: memref<32x125x80xi32, #tpu.memory_space<hbm>>, %arg4: memref<32x125x80xi32, #tpu.memory_space<hbm>>, %arg5: memref<625x128xf32, #tpu.memory_space<hbm>>, %arg6: memref<2x16x625x128xf32, #tpu.memory_space<hbm>>, %arg7: memref<125x80xi32, #tpu.memory_space<vmem>>, %arg8: memref<80xi32, #tpu.memory_space<vmem>>, %arg9: memref<80xi32, #tpu.memory_space<vmem>>, %arg10: memref<80x128xf32, #tpu.memory_space<vmem>>, %arg11: memref<80x128xf32, #tpu.memory_space<vmem>>, %arg12: memref<!tpu.dma_semaphore, #tpu.memory_space<semaphore_mem>>, %arg13: memref<!tpu.dma_semaphore, #tpu.memory_space<semaphore_mem>>, %arg14: memref<!tpu.dma_semaphore, #tpu.memory_space<semaphore_mem>>, %arg15: memref<!tpu.dma_semaphore, #tpu.memory_space<semaphore_mem>>, %arg16: memref<10000x128xf32, #tpu.memory_space<vmem_shared>>) attributes {dimension_semantics = [#tpu.dimension_semantics<core_parallel>, #tpu.dimension_semantics<subcore_parallel>], iteration_bounds = array<i64: 2, 16>, scalar_prefetch = 0 : i64, scratch_operands = 10 : i64, tpu.core_type = #tpu.core_type<sc_vector_subcore>, window_params = [{transform_indices = #map}, {transform_indices = #map1}, {transform_indices = #map1}, {transform_indices = #map}, {transform_indices = #map2}]} {
    %mul3A = arith.constant 16 : i32
    %mul3A_0 = arith.muli %arg0, %mul3A : i32
    %add3A = arith.addi %mul3A_0, %arg1 : i32
    %mul3A_1 = arith.constant 625 : i32
    %mul3A_2 = arith.muli %arg1, %mul3A_1 : i32
    "tpu.region"() ({
      %run_scoped3A = tpu.sem_alloc : memref<!tpu.dma_semaphore, #tpu.memory_space<semaphore_mem>>
      %dma_start3A_54 = arith.constant 0 : i32
      %dma_start3A_55 = tpu.memref_slice %arg16[%mul3A_2, %dma_start3A_54] : memref<10000x128xf32, #tpu.memory_space<vmem_shared>> -> memref<625x128xf32, #tpu.memory_space<vmem_shared>>
      tpu.enqueue_dma source(%arg5 : memref<625x128xf32, #tpu.memory_space<hbm>>) target(%dma_start3A_55 : memref<625x128xf32, #tpu.memory_space<vmem_shared>>) target_semaphore(%run_scoped3A : memref<!tpu.dma_semaphore, #tpu.memory_space<semaphore_mem>>)
      %dma_wait3A_56 = arith.constant 0 : i32
      %dma_wait3A_57 = tpu.memref_slice %arg16[%mul3A_2, %dma_wait3A_56] : memref<10000x128xf32, #tpu.memory_space<vmem_shared>> -> memref<625x128xf32, #tpu.memory_space<vmem_shared>>
      tpu.wait_dma2 semaphore(%run_scoped3A : memref<!tpu.dma_semaphore, #tpu.memory_space<semaphore_mem>>) src(%arg5 : memref<625x128xf32, #tpu.memory_space<hbm>>) dst(%dma_wait3A_57 : memref<625x128xf32, #tpu.memory_space<vmem_shared>>)
      tpu.yield
    }) : () -> ()
    "tpu.region"() ({
      %run_scoped3A = tpu.sem_alloc : memref<!tpu.dma_semaphore, #tpu.memory_space<semaphore_mem>>
      %dma_start3A_54 = arith.constant 0 : i32
      %dma_start3A_55 = arith.constant 0 : i32
      %dma_start3A_56 = tpu.memref_slice %arg3[%add3A, %dma_start3A_54, %dma_start3A_55] : memref<32x125x80xi32, #tpu.memory_space<hbm>> -> memref<1x125x80xi32, #tpu.memory_space<hbm>>
      %dma_start3A_57 = tpu.memref_squeeze %dma_start3A_56 : memref<1x125x80xi32, #tpu.memory_space<hbm>> -> memref<125x80xi32, #tpu.memory_space<hbm>>
      %dma_start3A_58 = arith.constant 0 : i32
      %dma_start3A_59 = arith.constant 0 : i32
      %dma_start3A_60 = tpu.memref_slice %arg3[%add3A, %dma_start3A_58, %dma_start3A_59] : memref<32x125x80xi32, #tpu.memory_space<hbm>> -> memref<1x125x80xi32, #tpu.memory_space<hbm>>
      %dma_start3A_61 = tpu.memref_squeeze %dma_start3A_60 : memref<1x125x80xi32, #tpu.memory_space<hbm>> -> memref<125x80xi32, #tpu.memory_space<hbm>>
      tpu.enqueue_dma source(%dma_start3A_61 : memref<125x80xi32, #tpu.memory_space<hbm>>) target(%arg7 : memref<125x80xi32, #tpu.memory_space<vmem>>) target_semaphore(%run_scoped3A : memref<!tpu.dma_semaphore, #tpu.memory_space<semaphore_mem>>)
      %dma_wait3A_62 = arith.constant 0 : i32
      %dma_wait3A_63 = arith.constant 0 : i32
      %dma_wait3A_64 = tpu.memref_slice %arg3[%add3A, %dma_wait3A_62, %dma_wait3A_63] : memref<32x125x80xi32, #tpu.memory_space<hbm>> -> memref<1x125x80xi32, #tpu.memory_space<hbm>>
      %dma_wait3A_65 = tpu.memref_squeeze %dma_wait3A_64 : memref<1x125x80xi32, #tpu.memory_space<hbm>> -> memref<125x80xi32, #tpu.memory_space<hbm>>
      %dma_wait3A_66 = arith.constant 0 : i32
      %dma_wait3A_67 = arith.constant 0 : i32
      %dma_wait3A_68 = tpu.memref_slice %arg3[%add3A, %dma_wait3A_66, %dma_wait3A_67] : memref<32x125x80xi32, #tpu.memory_space<hbm>> -> memref<1x125x80xi32, #tpu.memory_space<hbm>>
      %dma_wait3A_69 = tpu.memref_squeeze %dma_wait3A_68 : memref<1x125x80xi32, #tpu.memory_space<hbm>> -> memref<125x80xi32, #tpu.memory_space<hbm>>
      tpu.wait_dma2 semaphore(%run_scoped3A : memref<!tpu.dma_semaphore, #tpu.memory_space<semaphore_mem>>) src(%dma_wait3A_69 : memref<125x80xi32, #tpu.memory_space<hbm>>) dst(%arg7 : memref<125x80xi32, #tpu.memory_space<vmem>>)
      tpu.yield
    }) : () -> ()
    %barrier3A = arith.constant 0 : index
    tpu.barrier barrier_id(%barrier3A)
    %min3A = arith.constant 0 : i32
    %min3A_3 = arith.constant 124 : i32
    %min3A_4 = arith.minsi %min3A, %min3A_3 : i32
    %dma_start3A = arith.constant 0 : i32
    %dma_start3A_5 = tpu.memref_slice %arg4[%add3A, %min3A_4, %dma_start3A] : memref<32x125x80xi32, #tpu.memory_space<hbm>> -> memref<1x1x80xi32, #tpu.memory_space<hbm>>
    %dma_start3A_6 = tpu.memref_squeeze %dma_start3A_5 : memref<1x1x80xi32, #tpu.memory_space<hbm>> -> memref<80xi32, #tpu.memory_space<hbm>>
    %dma_start3A_7 = arith.constant 0 : i32
    %dma_start3A_8 = tpu.memref_slice %arg4[%add3A, %min3A_4, %dma_start3A_7] : memref<32x125x80xi32, #tpu.memory_space<hbm>> -> memref<1x1x80xi32, #tpu.memory_space<hbm>>
    %dma_start3A_9 = tpu.memref_squeeze %dma_start3A_8 : memref<1x1x80xi32, #tpu.memory_space<hbm>> -> memref<80xi32, #tpu.memory_space<hbm>>
    tpu.enqueue_dma source(%dma_start3A_9 : memref<80xi32, #tpu.memory_space<hbm>>) target(%arg8 : memref<80xi32, #tpu.memory_space<vmem>>) target_semaphore(%arg14 : memref<!tpu.dma_semaphore, #tpu.memory_space<semaphore_mem>>)
    %dma_start3A_10 = arith.constant 0 : i32
    %dma_start3A_11 = arith.constant 0 : i32
    %dma_start3A_12 = tpu.memref_slice %arg7[%dma_start3A_10, %dma_start3A_11] : memref<125x80xi32, #tpu.memory_space<vmem>> -> memref<1x80xi32, #tpu.memory_space<vmem>>
    %dma_start3A_13 = tpu.memref_squeeze %dma_start3A_12 : memref<1x80xi32, #tpu.memory_space<vmem>> -> memref<80xi32, #tpu.memory_space<vmem>>
    %dma_start3A_14 = arith.constant 0 : i32
    %dma_start3A_15 = arith.constant 0 : i32
    %dma_start3A_16 = tpu.memref_slice %arg2[%dma_start3A_14, %dma_start3A_15] : memref<10000x128xf32, #tpu.memory_space<hbm>> -> memref<10000x128xf32, #tpu.memory_space<hbm>>
    tpu.enqueue_indirect_dma source(%dma_start3A_16 : memref<10000x128xf32, #tpu.memory_space<hbm>>) target(%arg10 : memref<80x128xf32, #tpu.memory_space<vmem>>) offsets(%dma_start3A_13 : memref<80xi32, #tpu.memory_space<vmem>>) semaphore(%arg12 : memref<!tpu.dma_semaphore, #tpu.memory_space<semaphore_mem>>)
    %min3A_17 = arith.constant 1 : i32
    %min3A_18 = arith.constant 124 : i32
    %min3A_19 = arith.minsi %min3A_17, %min3A_18 : i32
    %dma_start3A_20 = arith.constant 0 : i32
    %dma_start3A_21 = tpu.memref_slice %arg4[%add3A, %min3A_19, %dma_start3A_20] : memref<32x125x80xi32, #tpu.memory_space<hbm>> -> memref<1x1x80xi32, #tpu.memory_space<hbm>>
    %dma_start3A_22 = tpu.memref_squeeze %dma_start3A_21 : memref<1x1x80xi32, #tpu.memory_space<hbm>> -> memref<80xi32, #tpu.memory_space<hbm>>
    %dma_start3A_23 = arith.constant 0 : i32
    %dma_start3A_24 = tpu.memref_slice %arg4[%add3A, %min3A_19, %dma_start3A_23] : memref<32x125x80xi32, #tpu.memory_space<hbm>> -> memref<1x1x80xi32, #tpu.memory_space<hbm>>
    %dma_start3A_25 = tpu.memref_squeeze %dma_start3A_24 : memref<1x1x80xi32, #tpu.memory_space<hbm>> -> memref<80xi32, #tpu.memory_space<hbm>>
    tpu.enqueue_dma source(%dma_start3A_25 : memref<80xi32, #tpu.memory_space<hbm>>) target(%arg9 : memref<80xi32, #tpu.memory_space<vmem>>) target_semaphore(%arg15 : memref<!tpu.dma_semaphore, #tpu.memory_space<semaphore_mem>>)
    %scan3A = arith.constant 0 : i32
    %scan3A_26 = arith.constant 0 : i32
    %scan3A_27 = arith.constant 62 : i32
    %scan3A_28 = arith.addi %scan3A_26, %scan3A_27 : i32
    %scan3A_29 = arith.constant 1 : i32
    scf.for %scan3A_54 = %scan3A_26 to %scan3A_28 step %scan3A_29  : i32 {
      %mul3A_55 = arith.constant 2 : i32
      %mul3A_56 = arith.muli %mul3A_55, %scan3A_54 : i32
      %add3A_57 = arith.constant 1 : i32
      %add3A_58 = arith.addi %mul3A_56, %add3A_57 : i32
      %dma_start3A_59 = arith.constant 0 : i32
      %dma_start3A_60 = tpu.memref_slice %arg7[%add3A_58, %dma_start3A_59] : memref<125x80xi32, #tpu.memory_space<vmem>> -> memref<1x80xi32, #tpu.memory_space<vmem>>
      %dma_start3A_61 = tpu.memref_squeeze %dma_start3A_60 : memref<1x80xi32, #tpu.memory_space<vmem>> -> memref<80xi32, #tpu.memory_space<vmem>>
      %dma_start3A_62 = arith.constant 0 : i32
      %dma_start3A_63 = arith.constant 0 : i32
      %dma_start3A_64 = tpu.memref_slice %arg2[%dma_start3A_62, %dma_start3A_63] : memref<10000x128xf32, #tpu.memory_space<hbm>> -> memref<10000x128xf32, #tpu.memory_space<hbm>>
      tpu.enqueue_indirect_dma source(%dma_start3A_64 : memref<10000x128xf32, #tpu.memory_space<hbm>>) target(%arg11 : memref<80x128xf32, #tpu.memory_space<vmem>>) offsets(%dma_start3A_61 : memref<80xi32, #tpu.memory_space<vmem>>) semaphore(%arg13 : memref<!tpu.dma_semaphore, #tpu.memory_space<semaphore_mem>>)
      %dma_wait3A_65 = arith.constant 0 : i32
      %dma_wait3A_66 = arith.constant 0 : i32
      %dma_wait3A_67 = tpu.memref_slice %arg7[%dma_wait3A_65, %dma_wait3A_66] : memref<125x80xi32, #tpu.memory_space<vmem>> -> memref<1x80xi32, #tpu.memory_space<vmem>>
      %dma_wait3A_68 = tpu.memref_squeeze %dma_wait3A_67 : memref<1x80xi32, #tpu.memory_space<vmem>> -> memref<80xi32, #tpu.memory_space<vmem>>
      %dma_wait3A_69 = arith.constant 0 : i32
      %dma_wait3A_70 = arith.constant 0 : i32
      %dma_wait3A_71 = tpu.memref_slice %arg2[%dma_wait3A_69, %dma_wait3A_70] : memref<10000x128xf32, #tpu.memory_space<hbm>> -> memref<10000x128xf32, #tpu.memory_space<hbm>>
      tpu.wait_indirect_dma semaphore(%arg12 : memref<!tpu.dma_semaphore, #tpu.memory_space<semaphore_mem>>) src(%dma_wait3A_71 : memref<10000x128xf32, #tpu.memory_space<hbm>>) dst(%arg10 : memref<80x128xf32, #tpu.memory_space<vmem>>)
      %dma_wait3A_72 = arith.constant 0 : i32
      %dma_wait3A_73 = arith.constant 0 : i32
      %dma_wait3A_74 = tpu.memref_slice %arg4[%add3A, %dma_wait3A_72, %dma_wait3A_73] : memref<32x125x80xi32, #tpu.memory_space<hbm>> -> memref<1x1x80xi32, #tpu.memory_space<hbm>>
      %dma_wait3A_75 = tpu.memref_squeeze %dma_wait3A_74 : memref<1x1x80xi32, #tpu.memory_space<hbm>> -> memref<80xi32, #tpu.memory_space<hbm>>
      %dma_wait3A_76 = arith.constant 0 : i32
      %dma_wait3A_77 = tpu.memref_slice %arg4[%add3A, %dma_wait3A_72, %dma_wait3A_76] : memref<32x125x80xi32, #tpu.memory_space<hbm>> -> memref<1x1x80xi32, #tpu.memory_space<hbm>>
      %dma_wait3A_78 = tpu.memref_squeeze %dma_wait3A_77 : memref<1x1x80xi32, #tpu.memory_space<hbm>> -> memref<80xi32, #tpu.memory_space<hbm>>
      tpu.wait_dma2 semaphore(%arg14 : memref<!tpu.dma_semaphore, #tpu.memory_space<semaphore_mem>>) src(%dma_wait3A_78 : memref<80xi32, #tpu.memory_space<hbm>>) dst(%arg8 : memref<80xi32, #tpu.memory_space<vmem>>)
      "tpu.region"() ({
        %run_scoped3A = tpu.sem_alloc : memref<!tpu.dma_semaphore, #tpu.memory_space<semaphore_mem>>
        %dma_start3A_127 = arith.constant 0 : i32
        %dma_start3A_128 = arith.constant 0 : i32
        %dma_start3A_129 = tpu.memref_slice %arg16[%dma_start3A_127, %dma_start3A_128] : memref<10000x128xf32, #tpu.memory_space<vmem_shared>> -> memref<10000x128xf32, #tpu.memory_space<vmem_shared>>
        tpu.enqueue_indirect_dma source(%arg10 : memref<80x128xf32, #tpu.memory_space<vmem>>) target(%dma_start3A_129 : memref<10000x128xf32, #tpu.memory_space<vmem_shared>>) offsets(%arg8 : memref<80xi32, #tpu.memory_space<vmem>>) semaphore(%run_scoped3A : memref<!tpu.dma_semaphore, #tpu.memory_space<semaphore_mem>>) {add = true}
        %dma_wait3A_130 = arith.constant 0 : i32
        %dma_wait3A_131 = arith.constant 0 : i32
        %dma_wait3A_132 = tpu.memref_slice %arg16[%dma_wait3A_130, %dma_wait3A_131] : memref<10000x128xf32, #tpu.memory_space<vmem_shared>> -> memref<10000x128xf32, #tpu.memory_space<vmem_shared>>
        tpu.wait_indirect_dma semaphore(%run_scoped3A : memref<!tpu.dma_semaphore, #tpu.memory_space<semaphore_mem>>) src(%arg10 : memref<80x128xf32, #tpu.memory_space<vmem>>) dst(%dma_wait3A_132 : memref<10000x128xf32, #tpu.memory_space<vmem_shared>>)
        tpu.yield
      }) : () -> ()
      %mul3A_79 = arith.constant 2 : i32
      %mul3A_80 = arith.muli %mul3A_79, %scan3A_54 : i32
      %add3A_81 = arith.constant 2 : i32
      %add3A_82 = arith.addi %mul3A_80, %add3A_81 : i32
      %dma_start3A_83 = arith.constant 0 : i32
      %dma_start3A_84 = tpu.memref_slice %arg7[%add3A_82, %dma_start3A_83] : memref<125x80xi32, #tpu.memory_space<vmem>> -> memref<1x80xi32, #tpu.memory_space<vmem>>
      %dma_start3A_85 = tpu.memref_squeeze %dma_start3A_84 : memref<1x80xi32, #tpu.memory_space<vmem>> -> memref<80xi32, #tpu.memory_space<vmem>>
      %dma_start3A_86 = arith.constant 0 : i32
      %dma_start3A_87 = arith.constant 0 : i32
      %dma_start3A_88 = tpu.memref_slice %arg2[%dma_start3A_86, %dma_start3A_87] : memref<10000x128xf32, #tpu.memory_space<hbm>> -> memref<10000x128xf32, #tpu.memory_space<hbm>>
      tpu.enqueue_indirect_dma source(%dma_start3A_88 : memref<10000x128xf32, #tpu.memory_space<hbm>>) target(%arg10 : memref<80x128xf32, #tpu.memory_space<vmem>>) offsets(%dma_start3A_85 : memref<80xi32, #tpu.memory_space<vmem>>) semaphore(%arg12 : memref<!tpu.dma_semaphore, #tpu.memory_space<semaphore_mem>>)
      %mul3A_89 = arith.constant 2 : i32
      %mul3A_90 = arith.muli %mul3A_89, %scan3A_54 : i32
      %add3A_91 = arith.constant 2 : i32
      %add3A_92 = arith.addi %mul3A_90, %add3A_91 : i32
      %min3A_93 = arith.constant 124 : i32
      %min3A_94 = arith.minsi %add3A_92, %min3A_93 : i32
      %dma_start3A_95 = arith.constant 0 : i32
      %dma_start3A_96 = tpu.memref_slice %arg4[%add3A, %min3A_94, %dma_start3A_95] : memref<32x125x80xi32, #tpu.memory_space<hbm>> -> memref<1x1x80xi32, #tpu.memory_space<hbm>>
      %dma_start3A_97 = tpu.memref_squeeze %dma_start3A_96 : memref<1x1x80xi32, #tpu.memory_space<hbm>> -> memref<80xi32, #tpu.memory_space<hbm>>
      %dma_start3A_98 = arith.constant 0 : i32
      %dma_start3A_99 = tpu.memref_slice %arg4[%add3A, %min3A_94, %dma_start3A_98] : memref<32x125x80xi32, #tpu.memory_space<hbm>> -> memref<1x1x80xi32, #tpu.memory_space<hbm>>
      %dma_start3A_100 = tpu.memref_squeeze %dma_start3A_99 : memref<1x1x80xi32, #tpu.memory_space<hbm>> -> memref<80xi32, #tpu.memory_space<hbm>>
      tpu.enqueue_dma source(%dma_start3A_100 : memref<80xi32, #tpu.memory_space<hbm>>) target(%arg8 : memref<80xi32, #tpu.memory_space<vmem>>) target_semaphore(%arg14 : memref<!tpu.dma_semaphore, #tpu.memory_space<semaphore_mem>>)
      %dma_wait3A_101 = arith.constant 0 : i32
      %dma_wait3A_102 = arith.constant 0 : i32
      %dma_wait3A_103 = tpu.memref_slice %arg7[%dma_wait3A_101, %dma_wait3A_102] : memref<125x80xi32, #tpu.memory_space<vmem>> -> memref<1x80xi32, #tpu.memory_space<vmem>>
      %dma_wait3A_104 = tpu.memref_squeeze %dma_wait3A_103 : memref<1x80xi32, #tpu.memory_space<vmem>> -> memref<80xi32, #tpu.memory_space<vmem>>
      %dma_wait3A_105 = arith.constant 0 : i32
      %dma_wait3A_106 = arith.constant 0 : i32
      %dma_wait3A_107 = tpu.memref_slice %arg2[%dma_wait3A_105, %dma_wait3A_106] : memref<10000x128xf32, #tpu.memory_space<hbm>> -> memref<10000x128xf32, #tpu.memory_space<hbm>>
      tpu.wait_indirect_dma semaphore(%arg13 : memref<!tpu.dma_semaphore, #tpu.memory_space<semaphore_mem>>) src(%dma_wait3A_107 : memref<10000x128xf32, #tpu.memory_space<hbm>>) dst(%arg11 : memref<80x128xf32, #tpu.memory_space<vmem>>)
      %dma_wait3A_108 = arith.constant 0 : i32
      %dma_wait3A_109 = arith.constant 0 : i32
      %dma_wait3A_110 = tpu.memref_slice %arg4[%add3A, %dma_wait3A_108, %dma_wait3A_109] : memref<32x125x80xi32, #tpu.memory_space<hbm>> -> memref<1x1x80xi32, #tpu.memory_space<hbm>>
      %dma_wait3A_111 = tpu.memref_squeeze %dma_wait3A_110 : memref<1x1x80xi32, #tpu.memory_space<hbm>> -> memref<80xi32, #tpu.memory_space<hbm>>
      %dma_wait3A_112 = arith.constant 0 : i32
      %dma_wait3A_113 = tpu.memref_slice %arg4[%add3A, %dma_wait3A_108, %dma_wait3A_112] : memref<32x125x80xi32, #tpu.memory_space<hbm>> -> memref<1x1x80xi32, #tpu.memory_space<hbm>>
      %dma_wait3A_114 = tpu.memref_squeeze %dma_wait3A_113 : memref<1x1x80xi32, #tpu.memory_space<hbm>> -> memref<80xi32, #tpu.memory_space<hbm>>
      tpu.wait_dma2 semaphore(%arg15 : memref<!tpu.dma_semaphore, #tpu.memory_space<semaphore_mem>>) src(%dma_wait3A_114 : memref<80xi32, #tpu.memory_space<hbm>>) dst(%arg9 : memref<80xi32, #tpu.memory_space<vmem>>)
      "tpu.region"() ({
        %run_scoped3A = tpu.sem_alloc : memref<!tpu.dma_semaphore, #tpu.memory_space<semaphore_mem>>
        %dma_start3A_127 = arith.constant 0 : i32
        %dma_start3A_128 = arith.constant 0 : i32
        %dma_start3A_129 = tpu.memref_slice %arg16[%dma_start3A_127, %dma_start3A_128] : memref<10000x128xf32, #tpu.memory_space<vmem_shared>> -> memref<10000x128xf32, #tpu.memory_space<vmem_shared>>
        tpu.enqueue_indirect_dma source(%arg11 : memref<80x128xf32, #tpu.memory_space<vmem>>) target(%dma_start3A_129 : memref<10000x128xf32, #tpu.memory_space<vmem_shared>>) offsets(%arg9 : memref<80xi32, #tpu.memory_space<vmem>>) semaphore(%run_scoped3A : memref<!tpu.dma_semaphore, #tpu.memory_space<semaphore_mem>>) {add = true}
        %dma_wait3A_130 = arith.constant 0 : i32
        %dma_wait3A_131 = arith.constant 0 : i32
        %dma_wait3A_132 = tpu.memref_slice %arg16[%dma_wait3A_130, %dma_wait3A_131] : memref<10000x128xf32, #tpu.memory_space<vmem_shared>> -> memref<10000x128xf32, #tpu.memory_space<vmem_shared>>
        tpu.wait_indirect_dma semaphore(%run_scoped3A : memref<!tpu.dma_semaphore, #tpu.memory_space<semaphore_mem>>) src(%arg11 : memref<80x128xf32, #tpu.memory_space<vmem>>) dst(%dma_wait3A_132 : memref<10000x128xf32, #tpu.memory_space<vmem_shared>>)
        tpu.yield
      }) : () -> ()
      %mul3A_115 = arith.constant 2 : i32
      %mul3A_116 = arith.muli %mul3A_115, %scan3A_54 : i32
      %add3A_117 = arith.constant 3 : i32
      %add3A_118 = arith.addi %mul3A_116, %add3A_117 : i32
      %min3A_119 = arith.constant 124 : i32
      %min3A_120 = arith.minsi %add3A_118, %min3A_119 : i32
      %dma_start3A_121 = arith.constant 0 : i32
      %dma_start3A_122 = tpu.memref_slice %arg4[%add3A, %min3A_120, %dma_start3A_121] : memref<32x125x80xi32, #tpu.memory_space<hbm>> -> memref<1x1x80xi32, #tpu.memory_space<hbm>>
      %dma_start3A_123 = tpu.memref_squeeze %dma_start3A_122 : memref<1x1x80xi32, #tpu.memory_space<hbm>> -> memref<80xi32, #tpu.memory_space<hbm>>
      %dma_start3A_124 = arith.constant 0 : i32
      %dma_start3A_125 = tpu.memref_slice %arg4[%add3A, %min3A_120, %dma_start3A_124] : memref<32x125x80xi32, #tpu.memory_space<hbm>> -> memref<1x1x80xi32, #tpu.memory_space<hbm>>
      %dma_start3A_126 = tpu.memref_squeeze %dma_start3A_125 : memref<1x1x80xi32, #tpu.memory_space<hbm>> -> memref<80xi32, #tpu.memory_space<hbm>>
      tpu.enqueue_dma source(%dma_start3A_126 : memref<80xi32, #tpu.memory_space<hbm>>) target(%arg9 : memref<80xi32, #tpu.memory_space<vmem>>) target_semaphore(%arg15 : memref<!tpu.dma_semaphore, #tpu.memory_space<semaphore_mem>>)
    }
    %scan3A_30 = arith.constant 62 : i32
    %dma_wait3A = arith.constant 0 : i32
    %dma_wait3A_31 = arith.constant 0 : i32
    %dma_wait3A_32 = tpu.memref_slice %arg7[%dma_wait3A, %dma_wait3A_31] : memref<125x80xi32, #tpu.memory_space<vmem>> -> memref<1x80xi32, #tpu.memory_space<vmem>>
    %dma_wait3A_33 = tpu.memref_squeeze %dma_wait3A_32 : memref<1x80xi32, #tpu.memory_space<vmem>> -> memref<80xi32, #tpu.memory_space<vmem>>
    %dma_wait3A_34 = arith.constant 0 : i32
    %dma_wait3A_35 = arith.constant 0 : i32
    %dma_wait3A_36 = tpu.memref_slice %arg2[%dma_wait3A_34, %dma_wait3A_35] : memref<10000x128xf32, #tpu.memory_space<hbm>> -> memref<10000x128xf32, #tpu.memory_space<hbm>>
    tpu.wait_indirect_dma semaphore(%arg12 : memref<!tpu.dma_semaphore, #tpu.memory_space<semaphore_mem>>) src(%dma_wait3A_36 : memref<10000x128xf32, #tpu.memory_space<hbm>>) dst(%arg10 : memref<80x128xf32, #tpu.memory_space<vmem>>)
    %dma_wait3A_37 = arith.constant 0 : i32
    %dma_wait3A_38 = arith.constant 0 : i32
    %dma_wait3A_39 = tpu.memref_slice %arg4[%add3A, %dma_wait3A_37, %dma_wait3A_38] : memref<32x125x80xi32, #tpu.memory_space<hbm>> -> memref<1x1x80xi32, #tpu.memory_space<hbm>>
    %dma_wait3A_40 = tpu.memref_squeeze %dma_wait3A_39 : memref<1x1x80xi32, #tpu.memory_space<hbm>> -> memref<80xi32, #tpu.memory_space<hbm>>
    %dma_wait3A_41 = arith.constant 0 : i32
    %dma_wait3A_42 = tpu.memref_slice %arg4[%add3A, %dma_wait3A_37, %dma_wait3A_41] : memref<32x125x80xi32, #tpu.memory_space<hbm>> -> memref<1x1x80xi32, #tpu.memory_space<hbm>>
    %dma_wait3A_43 = tpu.memref_squeeze %dma_wait3A_42 : memref<1x1x80xi32, #tpu.memory_space<hbm>> -> memref<80xi32, #tpu.memory_space<hbm>>
    tpu.wait_dma2 semaphore(%arg14 : memref<!tpu.dma_semaphore, #tpu.memory_space<semaphore_mem>>) src(%dma_wait3A_43 : memref<80xi32, #tpu.memory_space<hbm>>) dst(%arg8 : memref<80xi32, #tpu.memory_space<vmem>>)
    "tpu.region"() ({
      %run_scoped3A = tpu.sem_alloc : memref<!tpu.dma_semaphore, #tpu.memory_space<semaphore_mem>>
      %dma_start3A_54 = arith.constant 0 : i32
      %dma_start3A_55 = arith.constant 0 : i32
      %dma_start3A_56 = tpu.memref_slice %arg16[%dma_start3A_54, %dma_start3A_55] : memref<10000x128xf32, #tpu.memory_space<vmem_shared>> -> memref<10000x128xf32, #tpu.memory_space<vmem_shared>>
      tpu.enqueue_indirect_dma source(%arg10 : memref<80x128xf32, #tpu.memory_space<vmem>>) target(%dma_start3A_56 : memref<10000x128xf32, #tpu.memory_space<vmem_shared>>) offsets(%arg8 : memref<80xi32, #tpu.memory_space<vmem>>) semaphore(%run_scoped3A : memref<!tpu.dma_semaphore, #tpu.memory_space<semaphore_mem>>) {add = true}
      %dma_wait3A_57 = arith.constant 0 : i32
      %dma_wait3A_58 = arith.constant 0 : i32
      %dma_wait3A_59 = tpu.memref_slice %arg16[%dma_wait3A_57, %dma_wait3A_58] : memref<10000x128xf32, #tpu.memory_space<vmem_shared>> -> memref<10000x128xf32, #tpu.memory_space<vmem_shared>>
      tpu.wait_indirect_dma semaphore(%run_scoped3A : memref<!tpu.dma_semaphore, #tpu.memory_space<semaphore_mem>>) src(%arg10 : memref<80x128xf32, #tpu.memory_space<vmem>>) dst(%dma_wait3A_59 : memref<10000x128xf32, #tpu.memory_space<vmem_shared>>)
      tpu.yield
    }) : () -> ()
    %dma_wait3A_44 = arith.constant 0 : i32
    %dma_wait3A_45 = arith.constant 0 : i32
    %dma_wait3A_46 = tpu.memref_slice %arg4[%add3A, %dma_wait3A_44, %dma_wait3A_45] : memref<32x125x80xi32, #tpu.memory_space<hbm>> -> memref<1x1x80xi32, #tpu.memory_space<hbm>>
    %dma_wait3A_47 = tpu.memref_squeeze %dma_wait3A_46 : memref<1x1x80xi32, #tpu.memory_space<hbm>> -> memref<80xi32, #tpu.memory_space<hbm>>
    %dma_wait3A_48 = arith.constant 0 : i32
    %dma_wait3A_49 = tpu.memref_slice %arg4[%add3A, %dma_wait3A_44, %dma_wait3A_48] : memref<32x125x80xi32, #tpu.memory_space<hbm>> -> memref<1x1x80xi32, #tpu.memory_space<hbm>>
    %dma_wait3A_50 = tpu.memref_squeeze %dma_wait3A_49 : memref<1x1x80xi32, #tpu.memory_space<hbm>> -> memref<80xi32, #tpu.memory_space<hbm>>
    tpu.wait_dma2 semaphore(%arg15 : memref<!tpu.dma_semaphore, #tpu.memory_space<semaphore_mem>>) src(%dma_wait3A_50 : memref<80xi32, #tpu.memory_space<hbm>>) dst(%arg9 : memref<80xi32, #tpu.memory_space<vmem>>)
    %barrier3A_51 = arith.constant 0 : index
    tpu.barrier barrier_id(%barrier3A_51)
    %mul3A_52 = arith.constant 625 : i32
    %mul3A_53 = arith.muli %arg1, %mul3A_52 : i32
    "tpu.region"() ({
      %run_scoped3A = tpu.sem_alloc : memref<!tpu.dma_semaphore, #tpu.memory_space<semaphore_mem>>
      %dma_start3A_54 = arith.constant 0 : i32
      %dma_start3A_55 = arith.constant 0 : i32
      %dma_start3A_56 = tpu.memref_slice %arg6[%arg0, %arg1, %dma_start3A_54, %dma_start3A_55] : memref<2x16x625x128xf32, #tpu.memory_space<hbm>> -> memref<1x1x625x128xf32, #tpu.memory_space<hbm>>
      %dma_start3A_57 = tpu.memref_squeeze %dma_start3A_56 : memref<1x1x625x128xf32, #tpu.memory_space<hbm>> -> memref<625x128xf32, #tpu.memory_space<hbm>>
      %dma_start3A_58 = arith.constant 0 : i32
      %dma_start3A_59 = tpu.memref_slice %arg16[%mul3A_53, %dma_start3A_58] : memref<10000x128xf32, #tpu.memory_space<vmem_shared>> -> memref<625x128xf32, #tpu.memory_space<vmem_shared>>
      tpu.enqueue_dma source(%dma_start3A_59 : memref<625x128xf32, #tpu.memory_space<vmem_shared>>) target(%dma_start3A_57 : memref<625x128xf32, #tpu.memory_space<hbm>>) target_semaphore(%run_scoped3A : memref<!tpu.dma_semaphore, #tpu.memory_space<semaphore_mem>>)
      %dma_wait3A_60 = arith.constant 0 : i32
      %dma_wait3A_61 = arith.constant 0 : i32
      %dma_wait3A_62 = tpu.memref_slice %arg6[%arg0, %arg1, %dma_wait3A_60, %dma_wait3A_61] : memref<2x16x625x128xf32, #tpu.memory_space<hbm>> -> memref<1x1x625x128xf32, #tpu.memory_space<hbm>>
      %dma_wait3A_63 = tpu.memref_squeeze %dma_wait3A_62 : memref<1x1x625x128xf32, #tpu.memory_space<hbm>> -> memref<625x128xf32, #tpu.memory_space<hbm>>
      %dma_wait3A_64 = arith.constant 0 : i32
      %dma_wait3A_65 = tpu.memref_slice %arg16[%mul3A_53, %dma_wait3A_64] : memref<10000x128xf32, #tpu.memory_space<vmem_shared>> -> memref<625x128xf32, #tpu.memory_space<vmem_shared>>
      tpu.wait_dma2 semaphore(%run_scoped3A : memref<!tpu.dma_semaphore, #tpu.memory_space<semaphore_mem>>) src(%dma_wait3A_65 : memref<625x128xf32, #tpu.memory_space<vmem_shared>>) dst(%dma_wait3A_63 : memref<625x128xf32, #tpu.memory_space<hbm>>)
      tpu.yield
    }) : () -> ()
    return
  }
}

module attributes {stable_mosaic.version = 14 : i64} {
  func.func @body(%arg0: i32, %arg1: memref<1000x128xf32, #tpu.memory_space<vmem>>, %arg2: memref<128x128xf32, #tpu.memory_space<vmem>>, %arg3: memref<1x128xf32, #tpu.memory_space<vmem>>, %arg4: memref<1000x128xf32, #tpu.memory_space<vmem>>) attributes {dimension_semantics = [#tpu.dimension_semantics<arbitrary>], iteration_bounds = array<i64: 10>, scalar_prefetch = 0 : i64, scratch_operands = 0 : i64, tpu.core_type = #tpu.core_type<tc>, window_params = [{transform_indices = @transform_0, window_bounds = array<i64: 1000, 128>}, {pipeline_mode = #tpu.pipeline_mode<synchronous>, transform_indices = @transform_1, window_bounds = array<i64: 128, 128>}, {pipeline_mode = #tpu.pipeline_mode<synchronous>, transform_indices = @transform_2, window_bounds = array<i64: 1, 128>}, {transform_indices = @transform_3, window_bounds = array<i64: 1000, 128>}]} {
    %get3A = arith.constant 0 : index
    %get3A_0 = arith.constant 0 : index
    %get3A_1 = vector.load %arg1[%get3A, %get3A_0] : memref<1000x128xf32, #tpu.memory_space<vmem>>, vector<1000x128xf32>
    %get3A_2 = arith.constant 0 : index
    %get3A_3 = arith.constant 0 : index
    %get3A_4 = vector.load %arg2[%get3A_2, %get3A_3] : memref<128x128xf32, #tpu.memory_space<vmem>>, vector<128x128xf32>
    %dot_general3A = arith.constant dense<0.000000e+00> : vector<1000x128xf32>
    %dot_general3A_5 = tpu.matmul %get3A_1, %get3A_4, %dot_general3A {dimension_numbers = #tpu.dot_dimension_numbers<[1], [1], [0], [0], [0, 0, 1, 0], [], []>, transpose_lhs_hint = false} : vector<1000x128xf32>, vector<128x128xf32>, vector<1000x128xf32> -> vector<1000x128xf32>
    %get3A_6 = arith.constant 0 : index
    %get3A_7 = arith.constant 0 : index
    %get3A_8 = vector.load %arg3[%get3A_6, %get3A_7] : memref<1x128xf32, #tpu.memory_space<vmem>>, vector<1x128xf32>
    %add3A = vector.broadcast %get3A_8 : vector<1x128xf32> to vector<1000x128xf32>
    %add3A_9 = arith.addf %dot_general3A_5, %add3A : vector<1000x128xf32>
    %swap3A = arith.constant 0 : index
    %swap3A_10 = arith.constant 0 : index
    %swap3A_11 = vector.load %arg4[%swap3A, %swap3A_10] : memref<1000x128xf32, #tpu.memory_space<vmem>>, vector<1000x128xf32>
    tpu.vector_store %arg4[%swap3A, %swap3A_10], %add3A_9 {strides = array<i32>} : memref<1000x128xf32, #tpu.memory_space<vmem>>, vector<1000x128xf32>,
    return
  }
  func.func @transform_0(%arg0: i32) -> (i32, i32) {
    %c0_i32 = arith.constant 0 : i32
    %c0_i32_0 = arith.constant 0 : i32
    return %arg0, %c0_i32 : i32, i32
  }
  func.func @transform_1(%arg0: i32) -> (i32, i32) {
    %c0_i32 = arith.constant 0 : i32
    %c0_i32_0 = arith.constant 0 : i32
    %c0_i32_1 = arith.constant 0 : i32
    return %c0_i32, %c0_i32_0 : i32, i32
  }
  func.func @transform_2(%arg0: i32) -> (i32, i32) {
    %c0_i32 = arith.constant 0 : i32
    %c0_i32_0 = arith.constant 0 : i32
    %c0_i32_1 = arith.constant 0 : i32
    return %c0_i32, %c0_i32_0 : i32, i32
  }
  func.func @transform_3(%arg0: i32) -> (i32, i32) {
    %c0_i32 = arith.constant 0 : i32
    %c0_i32_0 = arith.constant 0 : i32
    return %arg0, %c0_i32 : i32, i32
  }
}

module attributes {stable_mosaic.version = 14 : i64} {
  func.func @body(%arg0: i32, %arg1: memref<1000x128xf32, #tpu.memory_space<vmem>>, %arg2: memref<1000x128xf32, #tpu.memory_space<vmem>>, %arg3: memref<1000x128xf32, #tpu.memory_space<vmem>>, %arg4: memref<1000x1xf32, #tpu.memory_space<vmem>>, %arg5: memref<128x128xf32, #tpu.memory_space<vmem>>, %arg6: memref<1000x128xf32, #tpu.memory_space<vmem>>) attributes {dimension_semantics = [#tpu.dimension_semantics<arbitrary>], iteration_bounds = array<i64: 10>, scalar_prefetch = 0 : i64, scratch_operands = 0 : i64, tpu.core_type = #tpu.core_type<tc>, window_params = [{transform_indices = @transform_0, window_bounds = array<i64: 1000, 128>}, {transform_indices = @transform_1, window_bounds = array<i64: 1000, 128>}, {transform_indices = @transform_2, window_bounds = array<i64: 1000, 128>}, {transform_indices = @transform_3, window_bounds = array<i64: 1000, 1>}, {pipeline_mode = #tpu.pipeline_mode<synchronous>, transform_indices = @transform_4, window_bounds = array<i64: 128, 128>}, {transform_indices = @transform_5, window_bounds = array<i64: 1000, 128>}]} {
    %get3A = arith.constant 0 : index
    %get3A_0 = arith.constant 0 : index
    %get3A_1 = vector.load %arg4[%get3A, %get3A_0] : memref<1000x1xf32, #tpu.memory_space<vmem>>, vector<1000x1xf32>
    %max3A = arith.constant 1.000000e+00 : f32
    %max3A_2 = vector.broadcast %max3A : f32 to vector<1000x1xf32>
    %max3A_3 = arith.maximumf %get3A_1, %max3A_2 : vector<1000x1xf32>
    %get3A_4 = arith.constant 0 : index
    %get3A_5 = arith.constant 0 : index
    %get3A_6 = vector.load %arg2[%get3A_4, %get3A_5] : memref<1000x128xf32, #tpu.memory_space<vmem>>, vector<1000x128xf32>
    %get3A_7 = arith.constant 0 : index
    %get3A_8 = arith.constant 0 : index
    %get3A_9 = vector.load %arg3[%get3A_7, %get3A_8] : memref<1000x128xf32, #tpu.memory_space<vmem>>, vector<1000x128xf32>
    %add3A = arith.addf %get3A_6, %get3A_9 : vector<1000x128xf32>
    %div3A = vector.broadcast %max3A_3 : vector<1000x1xf32> to vector<1000x128xf32>
    %div3A_10 = arith.divf %add3A, %div3A : vector<1000x128xf32>
    %get3A_11 = arith.constant 0 : index
    %get3A_12 = arith.constant 0 : index
    %get3A_13 = vector.load %arg1[%get3A_11, %get3A_12] : memref<1000x128xf32, #tpu.memory_space<vmem>>, vector<1000x128xf32>
    %get3A_14 = arith.constant 0 : index
    %get3A_15 = arith.constant 0 : index
    %get3A_16 = vector.load %arg5[%get3A_14, %get3A_15] : memref<128x128xf32, #tpu.memory_space<vmem>>, vector<128x128xf32>
    %dot_general3A = arith.constant dense<0.000000e+00> : vector<1000x128xf32>
    %dot_general3A_17 = tpu.matmul %div3A_10, %get3A_16, %dot_general3A {dimension_numbers = #tpu.dot_dimension_numbers<[1], [1], [0], [0], [0, 0, 1, 0], [], []>, transpose_lhs_hint = false} : vector<1000x128xf32>, vector<128x128xf32>, vector<1000x128xf32> -> vector<1000x128xf32>
    %add3A_18 = arith.addf %get3A_13, %dot_general3A_17 : vector<1000x128xf32>
    %max3A_19 = arith.constant 0.000000e+00 : f32
    %max3A_20 = vector.broadcast %max3A_19 : f32 to vector<1000x128xf32>
    %max3A_21 = arith.maximumf %add3A_18, %max3A_20 : vector<1000x128xf32>
    %swap3A = arith.constant 0 : index
    %swap3A_22 = arith.constant 0 : index
    %swap3A_23 = vector.load %arg6[%swap3A, %swap3A_22] : memref<1000x128xf32, #tpu.memory_space<vmem>>, vector<1000x128xf32>
    tpu.vector_store %arg6[%swap3A, %swap3A_22], %max3A_21 {strides = array<i32>} : memref<1000x128xf32, #tpu.memory_space<vmem>>, vector<1000x128xf32>,
    return
  }
  func.func @transform_0(%arg0: i32) -> (i32, i32) {
    %c0_i32 = arith.constant 0 : i32
    %c0_i32_0 = arith.constant 0 : i32
    return %arg0, %c0_i32 : i32, i32
  }
  func.func @transform_1(%arg0: i32) -> (i32, i32) {
    %c0_i32 = arith.constant 0 : i32
    %c0_i32_0 = arith.constant 0 : i32
    return %arg0, %c0_i32 : i32, i32
  }
  func.func @transform_2(%arg0: i32) -> (i32, i32) {
    %c0_i32 = arith.constant 0 : i32
    %c0_i32_0 = arith.constant 0 : i32
    return %arg0, %c0_i32 : i32, i32
  }
  func.func @transform_3(%arg0: i32) -> (i32, i32) {
    %c0_i32 = arith.constant 0 : i32
    %c0_i32_0 = arith.constant 0 : i32
    return %arg0, %c0_i32 : i32, i32
  }
  func.func @transform_4(%arg0: i32) -> (i32, i32) {
    %c0_i32 = arith.constant 0 : i32
    %c0_i32_0 = arith.constant 0 : i32
    %c0_i32_1 = arith.constant 0 : i32
    return %c0_i32, %c0_i32_0 : i32, i32
  }
  func.func @transform_5(%arg0: i32) -> (i32, i32) {
    %c0_i32 = arith.constant 0 : i32
    %c0_i32_0 = arith.constant 0 : i32
    return %arg0, %c0_i32 : i32, i32
  }
}

module attributes {stable_mosaic.version = 14 : i64} {
  func.func @body(%arg0: i32, %arg1: memref<1000x128xf32, #tpu.memory_space<vmem>>, %arg2: memref<1000x128xf32, #tpu.memory_space<vmem>>, %arg3: memref<1000x128xf32, #tpu.memory_space<vmem>>, %arg4: memref<1000x1xf32, #tpu.memory_space<vmem>>, %arg5: memref<128x128xf32, #tpu.memory_space<vmem>>, %arg6: memref<1000x128xf32, #tpu.memory_space<vmem>>) attributes {dimension_semantics = [#tpu.dimension_semantics<arbitrary>], iteration_bounds = array<i64: 10>, scalar_prefetch = 0 : i64, scratch_operands = 0 : i64, tpu.core_type = #tpu.core_type<tc>, window_params = [{transform_indices = @transform_0, window_bounds = array<i64: 1000, 128>}, {transform_indices = @transform_1, window_bounds = array<i64: 1000, 128>}, {transform_indices = @transform_2, window_bounds = array<i64: 1000, 128>}, {transform_indices = @transform_3, window_bounds = array<i64: 1000, 1>}, {pipeline_mode = #tpu.pipeline_mode<synchronous>, transform_indices = @transform_4, window_bounds = array<i64: 128, 128>}, {transform_indices = @transform_5, window_bounds = array<i64: 1000, 128>}]} {
    %get3A = arith.constant 0 : index
    %get3A_0 = arith.constant 0 : index
    %get3A_1 = vector.load %arg4[%get3A, %get3A_0] : memref<1000x1xf32, #tpu.memory_space<vmem>>, vector<1000x1xf32>
    %max3A = arith.constant 1.000000e+00 : f32
    %max3A_2 = vector.broadcast %max3A : f32 to vector<1000x1xf32>
    %max3A_3 = arith.maximumf %get3A_1, %max3A_2 : vector<1000x1xf32>
    %get3A_4 = arith.constant 0 : index
    %get3A_5 = arith.constant 0 : index
    %get3A_6 = vector.load %arg2[%get3A_4, %get3A_5] : memref<1000x128xf32, #tpu.memory_space<vmem>>, vector<1000x128xf32>
    %get3A_7 = arith.constant 0 : index
    %get3A_8 = arith.constant 0 : index
    %get3A_9 = vector.load %arg3[%get3A_7, %get3A_8] : memref<1000x128xf32, #tpu.memory_space<vmem>>, vector<1000x128xf32>
    %add3A = arith.addf %get3A_6, %get3A_9 : vector<1000x128xf32>
    %div3A = vector.broadcast %max3A_3 : vector<1000x1xf32> to vector<1000x128xf32>
    %div3A_10 = arith.divf %add3A, %div3A : vector<1000x128xf32>
    %get3A_11 = arith.constant 0 : index
    %get3A_12 = arith.constant 0 : index
    %get3A_13 = vector.load %arg1[%get3A_11, %get3A_12] : memref<1000x128xf32, #tpu.memory_space<vmem>>, vector<1000x128xf32>
    %get3A_14 = arith.constant 0 : index
    %get3A_15 = arith.constant 0 : index
    %get3A_16 = vector.load %arg5[%get3A_14, %get3A_15] : memref<128x128xf32, #tpu.memory_space<vmem>>, vector<128x128xf32>
    %dot_general3A = arith.constant dense<0.000000e+00> : vector<1000x128xf32>
    %dot_general3A_17 = tpu.matmul %div3A_10, %get3A_16, %dot_general3A {dimension_numbers = #tpu.dot_dimension_numbers<[1], [1], [0], [0], [0, 0, 1, 0], [], []>, transpose_lhs_hint = false} : vector<1000x128xf32>, vector<128x128xf32>, vector<1000x128xf32> -> vector<1000x128xf32>
    %add3A_18 = arith.addf %get3A_13, %dot_general3A_17 : vector<1000x128xf32>
    %swap3A = arith.constant 0 : index
    %swap3A_19 = arith.constant 0 : index
    %swap3A_20 = vector.load %arg6[%swap3A, %swap3A_19] : memref<1000x128xf32, #tpu.memory_space<vmem>>, vector<1000x128xf32>
    tpu.vector_store %arg6[%swap3A, %swap3A_19], %add3A_18 {strides = array<i32>} : memref<1000x128xf32, #tpu.memory_space<vmem>>, vector<1000x128xf32>,
    return
  }
  func.func @transform_0(%arg0: i32) -> (i32, i32) {
    %c0_i32 = arith.constant 0 : i32
    %c0_i32_0 = arith.constant 0 : i32
    return %arg0, %c0_i32 : i32, i32
  }
  func.func @transform_1(%arg0: i32) -> (i32, i32) {
    %c0_i32 = arith.constant 0 : i32
    %c0_i32_0 = arith.constant 0 : i32
    return %arg0, %c0_i32 : i32, i32
  }
  func.func @transform_2(%arg0: i32) -> (i32, i32) {
    %c0_i32 = arith.constant 0 : i32
    %c0_i32_0 = arith.constant 0 : i32
    return %arg0, %c0_i32 : i32, i32
  }
  func.func @transform_3(%arg0: i32) -> (i32, i32) {
    %c0_i32 = arith.constant 0 : i32
    %c0_i32_0 = arith.constant 0 : i32
    return %arg0, %c0_i32 : i32, i32
  }
  func.func @transform_4(%arg0: i32) -> (i32, i32) {
    %c0_i32 = arith.constant 0 : i32
    %c0_i32_0 = arith.constant 0 : i32
    %c0_i32_1 = arith.constant 0 : i32
    return %c0_i32, %c0_i32_0 : i32, i32
  }
  func.func @transform_5(%arg0: i32) -> (i32, i32) {
    %c0_i32 = arith.constant 0 : i32
    %c0_i32_0 = arith.constant 0 : i32
    return %arg0, %c0_i32 : i32, i32
  }
}

</mosaic_0001>

<sc_bundles>
// kernel: sage_sc_agg.4.cloned.1.call-start
scs
__scs_entry_jumppad:
0x0: {  	(pc) =	sbr.rel $0x88, $3  }
0x1: {  	(tag) =	ssettag $0x0;
	lr =	simm.s32 $0x1  }
0x2: {  	[smem:$0x3F99] =	sst lr;
	_ =	strace $0xD0000000  }
0x3: {  	_ = 	snop  }
0x4: {  	_ = 	snop  }
0x5: {  	_ = 	snop  }
0x6: {  	_ = 	snop  }
0x7: {  	_ = 	snop  }
__scs_overlays_trampoline_lowered:
0x8: {  	[smem:$0x3FA8] =	sst s0  }
0x9: {  	[smem:$0x3FA9] =	sst s1  }
0xa: {  	[smem:$0x3FAA] =	sst s2  }
0xb: {  	[smem:$0x3FAB] =	sst s3  }
0xc: {  	[smem:$0x3FAC] =	sst s4  }
0xd: {  	[smem:$0x3FAD] =	sst s5  }
0xe: {  	[smem:$0x3FAE] =	sst s6  }
0xf: {  	[smem:$0x3FAF] =	sst s7  }
0x10: {  	[smem:$0x3FB0] =	sst s8  }
0x11: {  	[smem:$0x3FB1] =	sst s9;
	s0 =	simm.s32 @!p0 $0x0  }
0x12: {  	s1 =	sld [smem:$0x3F97];
	s0 =	simm.s32 @p0 $0x1  }
0x13: {  	[smem:$0x3FB2] =	sst s0;
	s0 =	simm.s32 @!p1 $0x0  }
0x14: {  	s2 =	sld [smem:$0x3F96];
	s0 =	simm.s32 @p1 $0x1  }
0x15: {  	[smem:$0x3FB3] =	sst s0;
	s0 =	simm.s32 @!p2 $0x0  }
0x16: {  	s3 =	sld [smem:$0x3FDB];
	s0 =	simm.s32 @p2 $0x1  }
0x17: {  	s4 =	simm.s32 $0x1BF5;
	[smem:$0x3FB5] =	sst s0  }
0x18: {  	s0 =	sld [smem:$0x3F98];
	_ =	swait.ge [sflag:s4], $0x0  }
0x19: {  	s7 =	sld [smem:$0x3F99]  }
0x1a: {  	s8 =	sadd.s32 $0xFFFFE003, lr  }
0x1b: {  	s9 =	sadd.s32 $0xFFFFFEF7, lr;
	s5 =	simm.s32 $0xFFFFFFFF;
	p2 =	slt.u32 s8, $0xFFFFF086  }
0x1c: {  	p1 =	slt.u32 s9, $0xF7A;
	s5 =	simm.s32 @!p2 $0x0  }
0x1d: {  	s5 =	simm.s32 @p1 $0x1;
	p0 =	seq.s32 s7, s2  }
0x1e: {  	s7 =	smul.u32 @!p0 $0xF7A, s2;
	p2 =	seq.s32 @!p0 s5, $0x0  }
0x1f: {  	s9 =	smul.u32 $0xF7A, s1;
	s8 =	simm.s32 @!p0 $0x1BF5;
	p2 =	por !p2, p0  }
0x20: {  	[sflag:s8] =	ssyncset.s32 @!p0 $0xFFFFF086;
	s6 =	sadd.s32 @!p0 s3, s7;
	s7 =	simm.s32 @!p0 $0x108  }
0x21: {  	s3 =	sadd.s32 s3, s9;
	s6 =	sadd.s32 @!p0 $0x88, s6;
	s7 =	simm.s32 @p2 $0x1082  }
0x22: {  	[simem:s7], [sflag:s8] =	dma.local @!p0 [hbm:s6], $0xF7A  }
0x23: {  	s9 =	sor.u32 $0xD0000000, s2;
	s6 =	simm.s32 $0x108;
	_ =	swait.ge @!p0 [sflag:s8], $0x0  }
0x24: {  	s3 =	sadd.s32 $0x88, s3;
	s6 =	simm.s32 @!p1 $0x1082;
	[sflag:s4] =	ssyncset.s32 $0xFFFFF086  }
0x25: {  	[simem:s6], [sflag:s4] =	dma.local [hbm:s3], $0xF7A  }
0x26: {  	[smem:$0x3F99] =	sst s1;
	(tag) =	ssettag s2;
	_ =	strace s9  }
0x27: {  	s1 =	sld [smem:$0x3FA9]  }
0x28: {  	s2 =	sld [smem:$0x3FAA]  }
0x29: {  	s4 =	sld [smem:$0x3FAC]  }
0x2a: {  	p0 =	seq.s32 s5, $0x0;
	s5 =	sld [smem:$0x3FAD]  }
0x2b: {  	s6 =	sld [smem:$0x3FAE]  }
0x2c: {  	s7 =	sld [smem:$0x3FAF]  }
0x2d: {  	s3 =	simm.s32 $0x108;
	s8 =	sld [smem:$0x3FB0]  }
0x2e: {  	s3 =	simm.s32 @!p0 $0x1082;
	s9 =	sld [smem:$0x3FB1]  }
0x2f: {  	lr =	sadd.s32 s0, s3;
	s0 =	sld [smem:$0x3FA8]  }
0x30: {  	s3 =	sld [smem:$0x3FAB]  }
0x31: {  	[smem:$0x3FB4] =	sst s10  }
0x32: {  	s10 =	sld [smem:$0x3FB2];
	_ =	sdelay $0x3  }
0x33: {  	p0 =	seq.s32 s10, $0x1;
	s10 =	sld [smem:$0x3FB4];
	_ =	sdelay $0x3  }
0x34: {  	[smem:$0x3FB4] =	sst s10  }
0x35: {  	s10 =	sld [smem:$0x3FB3];
	_ =	sdelay $0x3  }
0x36: {  	p1 =	seq.s32 s10, $0x1;
	s10 =	sld [smem:$0x3FB4];
	_ =	sdelay $0x3  }
0x37: {  	[smem:$0x3FB4] =	sst s10  }
0x38: {  	s10 =	sld [smem:$0x3FB5]  }
0x39: {  	_ = 	snop;
	(pc) =	sbr.ind lr, $3  }
0x3a: {  	_ = 	snop  }
0x3b: {  	_ = 	snop  }
0x3c: {  	p2 =	seq.s32 s10, $0x1;
	s10 =	sld [smem:$0x3FB4]  }
0x3d: {  	_ =	shalt  }
0x3e: {  	_ =	shalt  }
0x3f: {  	_ =	shalt  }
0x40: {  	_ =	shalt  }
0x41: {  	_ =	shalt  }
0x42: {  	_ =	shalt  }
0x43: {  	_ =	shalt  }
0x44: {  	_ =	shalt  }
0x45: {  	_ =	shalt  }
0x46: {  	_ =	shalt  }
0x47: {  	_ =	shalt  }
0x48: {  	_ =	shalt  }
0x49: {  	_ =	shalt  }
0x4a: {  	_ =	shalt  }
0x4b: {  	_ =	shalt  }
0x4c: {  	_ =	shalt  }
0x4d: {  	_ =	shalt  }
0x4e: {  	_ =	shalt  }
0x4f: {  	_ =	shalt  }
0x50: {  	_ =	shalt  }
0x51: {  	_ =	shalt  }
0x52: {  	_ =	shalt  }
0x53: {  	_ =	shalt  }
0x54: {  	_ =	shalt  }
0x55: {  	_ =	shalt  }
0x56: {  	_ =	shalt  }
0x57: {  	_ =	shalt  }
0x58: {  	_ =	shalt  }
0x59: {  	_ =	shalt  }
0x5a: {  	_ =	shalt  }
0x5b: {  	_ =	shalt  }
0x5c: {  	_ =	shalt  }
0x5d: {  	_ =	shalt  }
0x5e: {  	_ =	shalt  }
0x5f: {  	_ =	shalt  }
0x60: {  	_ =	shalt  }
0x61: {  	_ =	shalt  }
0x62: {  	_ =	shalt  }
0x63: {  	_ =	shalt  }
0x64: {  	_ =	shalt  }
0x65: {  	_ =	shalt  }
0x66: {  	_ =	shalt  }
0x67: {  	_ =	shalt  }
0x68: {  	_ =	shalt  }
0x69: {  	_ =	shalt  }
0x6a: {  	_ =	shalt  }
0x6b: {  	_ =	shalt  }
0x6c: {  	_ =	shalt  }
0x6d: {  	_ =	shalt  }
0x6e: {  	_ =	shalt  }
0x6f: {  	_ =	shalt  }
0x70: {  	_ =	shalt  }
0x71: {  	_ =	shalt  }
0x72: {  	_ =	shalt  }
0x73: {  	_ =	shalt  }
0x74: {  	_ =	shalt  }
0x75: {  	_ =	shalt  }
0x76: {  	_ =	shalt  }
0x77: {  	_ =	shalt  }
0x78: {  	_ =	shalt  }
0x79: {  	_ =	shalt  }
0x7a: {  	_ =	shalt  }
0x7b: {  	_ =	shalt  }
0x7c: {  	_ =	shalt  }
0x7d: {  	_ =	shalt  }
0x7e: {  	_ =	shalt  }
0x7f: {  	_ =	shalt  }
0x80: {  	_ =	shalt  }
0x81: {  	_ =	shalt  }
0x82: {  	_ =	shalt  }
0x83: {  	_ =	shalt  }
0x84: {  	_ =	shalt  }
0x85: {  	_ =	shalt  }
0x86: {  	_ =	shalt  }
0x87: {  	_ =	shalt  }
.Lfunc_end0:
.L_simem_size_0:
called_computation.1_lowered:
.L_overlay_start_0:
0x88: {  	s2 =	sld [smem:$0x3FD9]  }
0x89: {  	s3 =	sld [smem:$0x3FFE];
	_ =	sdelay $0x1  }
0x8a: {  	s1 =	srdreg.scid  }
0x8b: {  	s0 =	sand.u32 $0x1, s1  }
0x8c: {  	s17 =	sshll.u32 s0, $0xA;
	s2 =	sadd.s32 s3, s2  }
0x8d: {  	s2 =	sadd.s32 s2, s17  }
0x8e: {  	[smem:$0x3FC0] =	sst s2  }
0x8f: {  	_ = 	snop  }
0x90: {  	s2 =	sld [smem:$0x3FC9];
	(tm) =	ssettm $0x1  }
0x91: {  	s18 =	sld [smem:$0x3FFB];
	_ =	sdelay $0x3  }
0x92: {  	_ =	strace s18  }
0x93: {  	s3 =	sld [smem:$0x3FFC];
	_ =	sdelay $0x3  }
0x94: {  	_ =	strace s3  }
0x95: {  	s3 =	sld [smem:$0x3FFD];
	_ =	sdelay $0x3  }
0x96: {  	_ =	strace s3  }
0x97: {  	_ =	strace $0x8FFFFFFF  }
0x98: {  	s19 =	sld [smem:$0x3FDB];
	_ =	sdelay $0x1  }
0x99: {  	s4 =	simm.s32 $_scs_section_size  }
0x9a: {  	s5 =	simm.s32 $_size__tile_overlayer_lowered;
	s6 =	simm.s32 $_tile_overlayer_lowered  }
0x9b: {  	s22 =	simm.s32 $0x1BFF;
	s21 =	sshll.u32 s6, $0x1;
	s3 =	sadd.s32 s4, s19  }
0x9c: {  	s7 =	simm.s32 $0x0;
	s20 =	sshll.u32 s5, $0x1;
	s5 =	sadd.s32 s21, s3  }
0x9d: {  	[timem:s7], [sflag:s22] =	dma.local [hbm:s5], s20  }
0x9e: {  	_ =	swait.ge [sflag:s22], s20  }
0x9f: {  	s4 =	ssub.s32 $0x0, s20;
	[sflag:s22] =	ssyncset.done $0x0  }
0xa0: {  	[sflag:s22] =	ssyncadd.s32 s4;
	_ =	sdelay $0x1  }
0xa1: {  	s23 =	simm.s32 $0x1B8B  }
0xa2: {  	_ =	swait.ge [sflag:s23], $0x1  }
0xa3: {  	[sflag:s23] =	ssyncset.done $0x0  }
0xa4: {  	s25 =	simm.s32 $0x1B8E;
	s24 =	sld [smem:$0x3FFE];
	[sflag:s23] =	ssyncadd.s32 $0xFFFFFFFF  }
0xa5: {  	s26 =	simm.s32 $execute0_lowered;
	[smem:$0x3FD2] =	sst s25  }
0xa6: {  	s5 =	sshll.u32 s26, $0x1;
	_ =	strace $0x80000046;
	[dreg:$0x1] =	wrdreg $0xFFFFFFFF  }
0xa7: {  	s28 =	simm.s32 $_size_execute0_lowered;
	s3 =	sadd.s32 s3, s5;
	[dreg:$0x0] =	wrdreg $0x0  }
0xa8: {  	s5 =	sshll.u32 s28, $0x1;
	[dreg:$0x2] =	wrdreg s3  }
0xa9: {  	[dreg:$0x3] =	wrdreg s5  }
0xaa: {  	[dreg:$0x4] =	wrdreg $0xC0  }
0xab: {  	_ =	task [dreg:s7], $0x5FFFF  }
0xac: {  	[dreg:$0x1] =	wrdreg $0xFFFFFFFF  }
0xad: {  	[dreg:$0x0] =	wrdreg $0x60  }
0xae: {  	[dreg:$0x2] =	wrdreg s2  }
0xaf: {  	[dreg:$0x3] =	wrdreg s24  }
0xb0: {  	[dreg:$0x4] =	wrdreg $0x91000  }
0xb1: {  	[dreg:$0x5] =	wrdreg $0xA  }
0xb2: {  	_ =	task.clear_ibuf [dreg:s7], $0x6FFFF;
	_ =	strace $0x90000046  }
0xb3: {  	s29 =	simm.s32 $0xA;
	_ =	strace $0x80000048  }
0xb4: {  	_ =	swait.ge [sflag:s29], $0x1  }
0xb5: {  	[sflag:s29] =	ssyncadd.s32 $0xFFFFFFFF  }
0xb6: {  	_ =	strace $0x90000048  }
0xb7: {  	_ =	sfence  }
0xb8: {  	s30 =	sld [smem:$0x0];
	_ =	sdelay $0x2  }
0xb9: {  	s31 =	sshll.u32 s1, $0xD;
	s1 =	sshrl.u32 s1, $0x2  }
0xba: {  	s3 =	sand.u32 $0x4000, s31;
	s1 =	sadd.s32 s1, s30  }
0xbb: {  	s0 =	sor.u32 s3, s0;
	s1 =	sshll.u32 s1, $0x11  }
0xbc: {  	s0 =	sor.u32 s1, s0  }
0xbd: {  	s0 =	sadd.s32 $0x8F2B, s0  }
0xbe: {  	[sflag:s0] =	ssyncadd.remote.s32 $0x1  }
0xbf: {  	_ =	sfence.sel $0xFFFF  }
0xc0: {  	[dreg:$0x0] =	wrdreg $0xFFFFFFFF;
	(pc) =	sbr.abs _section_cstart, $3  }
0xc1: {  	[dreg:$0x1] =	wrdreg $0xFFFFFFFF  }
0xc2: {  	_ =	task.clear_ibuf [dreg:s7], $0x2FFFF;
	_ =	strace $0x9FFFFFFF  }
0xc3: {  	(tm) =	ssettm $0x7FFFFFFF  }
tec
execute0_lowered:
.L_overlay_start_1:
0x0: {  	(tag) =	ssettag $0x1  }
0x1: {  	s2 =	rddreg [dreg:$0x0]  }
0x2: {  	s0 =	rddreg [dreg:$0x1];
	s1 =	srdreg.scid  }
0x3: {  	s3 =	rddreg [dreg:$0x2];
	s12 =	stileid.u32  }
0x4: {  	s4 =	simm.s32 $0x0;
	s17 =	simm.s32 $0x5;
	s18 =	simm.s32 $0x4000  }
0x5: {  	s19 =	simm.s32 $0x50;
	s20 =	simm.s32 $0x4100;
	s21 =	simm.s32 $0x4080  }
0x6: {  	s22 =	simm.s32 $0x6900;
	s23 =	simm.s32 $0x1;
	s24 =	simm.s32 $0x3  }
0x7: {  	s25 =	simm.s32 $0x2;
	s26 =	simm.s32 $0x4;
	s30 =	simm.s32 $0x0  }
0x8: {  	s1 =	sand.u32 $0x1, s1;
	s6 =	sshll.u32 s12, $0xE;
	s8 =	smul.u32 $0x13C00, s12  }
0x9: {  	[smem:$0x7FF] =	sst s4;
	s11 =	smul.u32 $0x4E200, s12;
	s29 =	sshll.u32 s12, $0x6  }
0xa: {  	s5 =	sshll.u32 s1, $0x12;
	s7 =	smul.u32 $0x13C000, s1;
	_ =	strace $0x80000047  }
0xb: {  	s1 =	ssub.s32 $0x2, s1;
	s5 =	sor.u32 s6, s5;
	s6 =	sadd.s32 $0x2E00, s0  }
0xc: {  	s28 =	sshrl.u32 s1, $0x1;
	s11 =	sshrl.u32 s11, $0x2;
	s10 =	sshrl.u32 s5, $0x3  }
0xd: {  	s8 =	sadd.s32 s8, s7;
	s7 =	sadd.s32 $0x22E00, s0;
	s1 =	ssub.s32 s1, s28  }
0xe: {  	s16 =	sadd.s32 s11, s3;
	s31 =	sor.u32 $0x100, s5;
	s9 =	sadd.s32 s10, s0  }
0xf: {  	s8 =	sshrl.u32 s8, $0x3;
	s10 =	sadd.s32 s6, s10;
	s13 =	smax.u32 s1, $0x1  }
0x10: {  	s16 =	sshrl.u32 s16, $0x3;
	s0 =	sadd.s32 s8, s0;
	s8 =	sor.u32 $0x1C05, s29  }
0x11: {  	s9 =	sadd.s32 $0x12E00, s9;
	s12 =	sadd.s32 $0x25600, s0;
	s0 =	sshrl.u32 s31, $0x3  }
0x12: {  	s11 =	sadd.s32 $0x10, s10;
	s14 =	sadd.s32 $0x7C0, s10;
	s15 =	sadd.s32 s0, s6  }
.LBB2_1:
0x13: {  	[spmem:s16], [sflag:s8] =	dma.local [hbm:s7], $0x2710  }
0x14: {  	_ =	swait.ge [sflag:s17], $0x2710  }
0x15: {  	[sflag:s17] =	ssyncset.done $0x0  }
0x16: {  	[sflag:s17] =	ssyncadd.s32 $0xFFFFD8F0  }
0x17: {  	[tilespmem:s4], [sflag:$0x5] =	stream.linear.gather [hbm4b:s9+s4], $0x3E80, $0x38;
	[tilespmem:$0x1C980] =	vst v63  }
0x18: {  	_ =	swait.ge [sflag:s17], $0x3E80  }
0x19: {  	[sflag:s17] =	ssyncset.done $0x0  }
0x1a: {  	[sflag:s17] =	ssyncadd.s32 $0xFFFFC180  }
0x1b: {  	[bflag:$0x0] =	sbarrier.arrive $0xFFFF  }
0x1c: {  	[tilespmem:s18], [sflag:$0x3] =	stream.linear.gather [hbm4b:s10+s4], $0x80, $0x38;
	[tilespmem:$0x1C980] =	vst v63  }
0x1d: {  	_ = 	snop  }
0x1e: {  	[tilespmem:s20], [sflag:$0x1] =	stream.indirect.gather [hbm4b:s2+s19], $0x80, s4, s19, $0xb8;
	[tilespmem:$0x1C980] =	vst v63  }
0x1f: {  	_ = 	snop  }
0x20: {  	[tilespmem:s21], [sflag:$0x4] =	stream.linear.gather [hbm4b:s11+s4], $0x80, $0x38;
	[tilespmem:$0x1C980] =	vst v63  }
0x21: {  	s31 =	simm.s32 $0x80  }
0x22: {  	[tilespmem:s22], [sflag:$0x2] =	stream.indirect.gather [hbm4b:s2+s19], $0x80, s31, s19, $0xb8;
	[tilespmem:$0x1C980] =	vst v63  }
0x23: {  	_ =	swait.ge [sflag:s23], $0x2800  }
0x24: {  	[sflag:s23] =	ssyncset.done $0x0  }
0x25: {  	[sflag:s23] =	ssyncadd.s32 $0xFFFFD800  }
0x26: {  	_ =	swait.ge [sflag:s24], $0x80  }
0x27: {  	[sflag:s24] =	ssyncset.done $0x0  }
0x28: {  	[sflag:s24] =	ssyncadd.s32 $0xFFFFFF80  }
0x29: {  	[spmem:s3] =	stream.indirect.scatter.add.f32 [tilespmem:s20], [sflag:$0x5], $0x80, s18, s19, $0xb8;
	[tilespmem:$0x1C980] =	vst v63  }
0x2a: {  	_ =	swait.ge [sflag:s17], $0x2800  }
0x2b: {  	[sflag:s17] =	ssyncset.done $0x0  }
0x2c: {  	s0 =	simm.s32 $0x100;
	[sflag:s17] =	ssyncadd.s32 $0xFFFFD800  }
0x2d: {  	[tilespmem:s20], [sflag:$0x1] =	stream.indirect.gather [hbm4b:s2+s19], $0x80, s0, s19, $0xb8;
	[tilespmem:$0x1C980] =	vst v63  }
0x2e: {  	_ = 	snop  }
0x2f: {  	[tilespmem:s18], [sflag:$0x3] =	stream.linear.gather [hbm4b:s15+s4], $0x80, $0x38;
	[tilespmem:$0x1C980] =	vst v63  }
0x30: {  	_ =	swait.ge [sflag:s25], $0x2800  }
0x31: {  	[sflag:s25] =	ssyncset.done $0x0  }
0x32: {  	s29 =	simm.s32 $0x180;
	[sflag:s25] =	ssyncadd.s32 $0xFFFFD800  }
0x33: {  	s1 =	sand.u32 $0x7C00, s29;
	_ =	swait.ge [sflag:s26], $0x80  }
0x34: {  	s28 =	sand.u32 $0x380, s29;
	s1 =	sadd.s32 s5, s1;
	[sflag:s26] =	ssyncset.done $0x0  }
0x35: {  	s1 =	sor.u32 s28, s1;
	[sflag:s26] =	ssyncadd.s32 $0xFFFFFF80  }
0x36: {  	[spmem:s3] =	stream.indirect.scatter.add.f32 [tilespmem:s22], [sflag:$0x5], $0x80, s21, s19, $0xb8;
	[tilespmem:$0x1C980] =	vst v63  }
0x37: {  	s28 =	sshrl.u32 s1, $0x3;
	_ =	swait.ge [sflag:s17], $0x2800  }
0x38: {  	s1 =	sadd.s32 $0x20, s15;
	s0 =	simm.s32 $0x280;
	[sflag:s17] =	ssyncset.done $0x0  }
.LBB2_2:
0x39: {  	[sflag:s17] =	ssyncadd.s32 $0xFFFFD800;
	s28 =	sadd.s32 s6, s28;
	s31 =	sadd.s32 $0x100, s31  }
0x3a: {  	[tilespmem:s21], [sflag:$0x4] =	stream.linear.gather [hbm4b:s28+s4], $0x80, $0x38;
	[tilespmem:$0x1C980] =	vst v63  }
0x3b: {  	p0 =	sne.s32 s0, $0x3D80;
	s28 =	smov.u32 s0;
	s0 =	sadd.s32 $0x100, s0  }
0x3c: {  	[tilespmem:s22], [sflag:$0x2] =	stream.indirect.gather [hbm4b:s2+s19], $0x80, s31, s19, $0xb8;
	[tilespmem:$0x1C980] =	vst v63  }
0x3d: {  	_ =	swait.ge [sflag:s23], $0x2800  }
0x3e: {  	[sflag:s23] =	ssyncset.done $0x0  }
0x3f: {  	[sflag:s23] =	ssyncadd.s32 $0xFFFFD800  }
0x40: {  	_ =	swait.ge [sflag:s24], $0x80  }
0x41: {  	[sflag:s24] =	ssyncset.done $0x0  }
0x42: {  	[sflag:s24] =	ssyncadd.s32 $0xFFFFFF80  }
0x43: {  	[spmem:s3] =	stream.indirect.scatter.add.f32 [tilespmem:s20], [sflag:$0x5], $0x80, s18, s19, $0xb8;
	[tilespmem:$0x1C980] =	vst v63  }
0x44: {  	_ =	swait.ge [sflag:s17], $0x2800  }
0x45: {  	s29 =	sadd.s32 $0x80, s31;
	[sflag:s17] =	ssyncset.done $0x0  }
0x46: {  	[sflag:s17] =	ssyncadd.s32 $0xFFFFD800  }
0x47: {  	[tilespmem:s20], [sflag:$0x1] =	stream.indirect.gather [hbm4b:s2+s19], $0x80, s29, s19, $0xb8;
	[tilespmem:$0x1C980] =	vst v63  }
0x48: {  	_ = 	snop  }
0x49: {  	[tilespmem:s18], [sflag:$0x3] =	stream.linear.gather [hbm4b:s1+s4], $0x80, $0x38;
	[tilespmem:$0x1C980] =	vst v63  }
0x4a: {  	_ =	swait.ge [sflag:s25], $0x2800  }
0x4b: {  	[sflag:s25] =	ssyncset.done $0x0  }
0x4c: {  	[sflag:s25] =	ssyncadd.s32 $0xFFFFD800  }
0x4d: {  	_ =	swait.ge [sflag:s26], $0x80  }
.Ltmp0:
0x4e: {  	s29 =	sand.u32 $0x7C00, s28;
	[sflag:s26] =	ssyncset.done $0x0;
	(pc) =	sbr.rel @p0 .LBB2_2-.Ltmp0, $4  }
0x4f: {  	s28 =	sand.u32 $0x380, s28;
	s29 =	sadd.s32 s5, s29;
	[sflag:s26] =	ssyncadd.s32 $0xFFFFFF80  }
0x50: {  	[spmem:s3] =	stream.indirect.scatter.add.f32 [tilespmem:s22], [sflag:$0x5], $0x80, s21, s19, $0xb8;
	[tilespmem:$0x1C980] =	vst v63  }
0x51: {  	s28 =	sor.u32 s28, s29;
	_ =	swait.ge [sflag:s17], $0x2800  }
0x52: {  	s1 =	sadd.s32 $0x20, s1;
	s28 =	sshrl.u32 s28, $0x3;
	[sflag:s17] =	ssyncset.done $0x0  }
0x53: {  	[sflag:s17] =	ssyncadd.s32 $0xFFFFD800;
	s0 =	sadd.s32 s6, s28  }
0x54: {  	[tilespmem:s21], [sflag:$0x4] =	stream.linear.gather [hbm4b:s0+s4], $0x80, $0x38;
	[tilespmem:$0x1C980] =	vst v63  }
0x55: {  	s29 =	simm.s32 $0x3D80  }
0x56: {  	[tilespmem:s22], [sflag:$0x2] =	stream.indirect.gather [hbm4b:s2+s19], $0x80, s29, s19, $0xb8;
	[tilespmem:$0x1C980] =	vst v63  }
0x57: {  	_ =	swait.ge [sflag:s23], $0x2800  }
0x58: {  	[sflag:s23] =	ssyncset.done $0x0  }
0x59: {  	[sflag:s23] =	ssyncadd.s32 $0xFFFFD800  }
0x5a: {  	_ =	swait.ge [sflag:s24], $0x80  }
0x5b: {  	[sflag:s24] =	ssyncset.done $0x0  }
0x5c: {  	[sflag:s24] =	ssyncadd.s32 $0xFFFFFF80  }
0x5d: {  	[spmem:s3] =	stream.indirect.scatter.add.f32 [tilespmem:s20], [sflag:$0x5], $0x80, s18, s19, $0xb8;
	[tilespmem:$0x1C980] =	vst v63  }
0x5e: {  	_ =	swait.ge [sflag:s17], $0x2800  }
0x5f: {  	[sflag:s17] =	ssyncset.done $0x0  }
0x60: {  	s31 =	simm.s32 $0x3E00;
	[sflag:s17] =	ssyncadd.s32 $0xFFFFD800  }
0x61: {  	[tilespmem:s20], [sflag:$0x1] =	stream.indirect.gather [hbm4b:s2+s19], $0x80, s31, s19, $0xb8;
	[tilespmem:$0x1C980] =	vst v63  }
0x62: {  	_ = 	snop  }
0x63: {  	[tilespmem:s18], [sflag:$0x3] =	stream.linear.gather [hbm4b:s14+s4], $0x80, $0x38;
	[tilespmem:$0x1C980] =	vst v63  }
0x64: {  	_ =	swait.ge [sflag:s25], $0x2800  }
0x65: {  	[sflag:s25] =	ssyncset.done $0x0  }
0x66: {  	[sflag:s25] =	ssyncadd.s32 $0xFFFFD800  }
0x67: {  	_ =	swait.ge [sflag:s26], $0x80  }
0x68: {  	[sflag:s26] =	ssyncset.done $0x0  }
0x69: {  	[sflag:s26] =	ssyncadd.s32 $0xFFFFFF80  }
0x6a: {  	[spmem:s3] =	stream.indirect.scatter.add.f32 [tilespmem:s22], [sflag:$0x5], $0x80, s21, s19, $0xb8;
	[tilespmem:$0x1C980] =	vst v63  }
0x6b: {  	_ =	swait.ge [sflag:s17], $0x2800  }
0x6c: {  	[sflag:s17] =	ssyncset.done $0x0  }
0x6d: {  	[sflag:s17] =	ssyncadd.s32 $0xFFFFD800  }
0x6e: {  	[tilespmem:s21], [sflag:$0x4] =	stream.linear.gather [hbm4b:s14+s4], $0x80, $0x38;
	[tilespmem:$0x1C980] =	vst v63  }
0x6f: {  	_ =	swait.ge [sflag:s23], $0x2800  }
0x70: {  	[sflag:s23] =	ssyncset.done $0x0  }
0x71: {  	[sflag:s23] =	ssyncadd.s32 $0xFFFFD800  }
0x72: {  	_ =	swait.ge [sflag:s24], $0x80  }
0x73: {  	[sflag:s24] =	ssyncset.done $0x0  }
0x74: {  	[sflag:s24] =	ssyncadd.s32 $0xFFFFFF80  }
0x75: {  	[spmem:s3] =	stream.indirect.scatter.add.f32 [tilespmem:s20], [sflag:$0x5], $0x80, s18, s19, $0xb8;
	[tilespmem:$0x1C980] =	vst v63  }
0x76: {  	_ =	swait.ge [sflag:s17], $0x2800  }
0x77: {  	[sflag:s17] =	ssyncset.done $0x0  }
0x78: {  	[sflag:s17] =	ssyncadd.s32 $0xFFFFD800  }
0x79: {  	_ =	swait.ge [sflag:s26], $0x80  }
0x7a: {  	s30 =	sadd.s32 $0x1, s30;
	[sflag:s26] =	ssyncset.done $0x0  }
0x7b: {  	p0 =	sne.s32 s30, s13;
	[sflag:s26] =	ssyncadd.s32 $0xFFFFFF80  }
.Ltmp1:
0x7c: {  	[bflag:$0x0] =	sbarrier.arrive $0xFFFF;
	(pc) =	sbr.rel @p0 .LBB2_1-.Ltmp1, $4  }
0x7d: {  	[hbm:s12], [sflag:s8] =	dma.local [spmem:s16], $0x2710  }
0x7e: {  	_ =	swait.ge [sflag:s17], $0x2710  }
0x7f: {  	[sflag:s17] =	ssyncset.done $0x0  }
0x80: {  	[sflag:s17] =	ssyncadd.s32 $0xFFFFD8F0  }
0x81: {  	_ =	sfence.sel $0x180000  }
0x82: {  	[bflag:$0x0] =	sbarrier.arrive $0xFFFF  }
0x83: {  	_ =	strace $0x90000047  }
0x84: {  	s0 =	stileid.u32;
	[bflag:$0x2] =	sbarrier.arrive $0xFFFF  }
0x85: {  	p0 =	sne.s32 s0, $0x0;
	s0 =	rddreg [dreg:$0x3]  }
0x86: {  	s0 =	sadd.s32 @!p0 $0x100000, s0  }
0x87: {  	[sflag:s0] =	ssyncadd.tile.s32 @!p0 $0x1;
	_ =	shalt  }
.Lfunc_end2:
_tile_overlayer_lowered:
.L_overlay_start_2:
0x88: {  	(tag) =	ssettag $0x2  }
0x89: {  	s0 =	rddreg [dreg:$0x0];
	s2 =	stileid.u32  }
0x8a: {  	s1 =	rddreg [dreg:$0x1];
	p0 =	sne.s32 s2, $0x0  }
0x8b: {  	s3 =	rddreg [dreg:$0x2];
	[bflag:$0x3] =	sbarrier.arrive $0xFFFF;
	s2 =	simm.s32 @!p0 $0x1C05  }
0x8c: {  	[timem:s3], [sflag:s2] =	dma.local @!p0 [hbm:s0], s1  }
0x8d: {  	s0 =	simm.s32 @!p0 $0x5  }
0x8e: {  	_ =	swait.ge @!p0 [sflag:s0], s1  }
0x8f: {  	s1 =	ssub.s32 @!p0 $0x0, s1;
	[sflag:s0] =	ssyncset.done @!p0 $0x0  }
0x90: {  	[sflag:s0] =	ssyncadd.s32 @!p0 s1  }
0x91: {  	[bflag:$0x3] =	sbarrier.arrive $0xFFFF  }
0x92: {  	_ =	shalt  }

// kernel: sage_sc_agg.7.cloned.1.call-start
scs
__scs_entry_jumppad:
0x0: {  	(pc) =	sbr.rel $0x88, $3  }
0x1: {  	(tag) =	ssettag $0x0;
	lr =	simm.s32 $0x1  }
0x2: {  	[smem:$0x3F99] =	sst lr;
	_ =	strace $0xD0000000  }
0x3: {  	_ = 	snop  }
0x4: {  	_ = 	snop  }
0x5: {  	_ = 	snop  }
0x6: {  	_ = 	snop  }
0x7: {  	_ = 	snop  }
__scs_overlays_trampoline_lowered:
0x8: {  	[smem:$0x3FA8] =	sst s0  }
0x9: {  	[smem:$0x3FA9] =	sst s1  }
0xa: {  	[smem:$0x3FAA] =	sst s2  }
0xb: {  	[smem:$0x3FAB] =	sst s3  }
0xc: {  	[smem:$0x3FAC] =	sst s4  }
0xd: {  	[smem:$0x3FAD] =	sst s5  }
0xe: {  	[smem:$0x3FAE] =	sst s6  }
0xf: {  	[smem:$0x3FAF] =	sst s7  }
0x10: {  	[smem:$0x3FB0] =	sst s8  }
0x11: {  	[smem:$0x3FB1] =	sst s9;
	s0 =	simm.s32 @!p0 $0x0  }
0x12: {  	s1 =	sld [smem:$0x3F97];
	s0 =	simm.s32 @p0 $0x1  }
0x13: {  	[smem:$0x3FB2] =	sst s0;
	s0 =	simm.s32 @!p1 $0x0  }
0x14: {  	s2 =	sld [smem:$0x3F96];
	s0 =	simm.s32 @p1 $0x1  }
0x15: {  	[smem:$0x3FB3] =	sst s0;
	s0 =	simm.s32 @!p2 $0x0  }
0x16: {  	s3 =	sld [smem:$0x3FDB];
	s0 =	simm.s32 @p2 $0x1  }
0x17: {  	s4 =	simm.s32 $0x1BF5;
	[smem:$0x3FB5] =	sst s0  }
0x18: {  	s0 =	sld [smem:$0x3F98];
	_ =	swait.ge [sflag:s4], $0x0  }
0x19: {  	s7 =	sld [smem:$0x3F99]  }
0x1a: {  	s8 =	sadd.s32 $0xFFFFE003, lr  }
0x1b: {  	s9 =	sadd.s32 $0xFFFFFEF7, lr;
	s5 =	simm.s32 $0xFFFFFFFF;
	p2 =	slt.u32 s8, $0xFFFFF086  }
0x1c: {  	p1 =	slt.u32 s9, $0xF7A;
	s5 =	simm.s32 @!p2 $0x0  }
0x1d: {  	s5 =	simm.s32 @p1 $0x1;
	p0 =	seq.s32 s7, s2  }
0x1e: {  	s7 =	smul.u32 @!p0 $0xF7A, s2;
	p2 =	seq.s32 @!p0 s5, $0x0  }
0x1f: {  	s9 =	smul.u32 $0xF7A, s1;
	s8 =	simm.s32 @!p0 $0x1BF5;
	p2 =	por !p2, p0  }
0x20: {  	[sflag:s8] =	ssyncset.s32 @!p0 $0xFFFFF086;
	s6 =	sadd.s32 @!p0 s3, s7;
	s7 =	simm.s32 @!p0 $0x108  }
0x21: {  	s3 =	sadd.s32 s3, s9;
	s6 =	sadd.s32 @!p0 $0x88, s6;
	s7 =	simm.s32 @p2 $0x1082  }
0x22: {  	[simem:s7], [sflag:s8] =	dma.local @!p0 [hbm:s6], $0xF7A  }
0x23: {  	s9 =	sor.u32 $0xD0000000, s2;
	s6 =	simm.s32 $0x108;
	_ =	swait.ge @!p0 [sflag:s8], $0x0  }
0x24: {  	s3 =	sadd.s32 $0x88, s3;
	s6 =	simm.s32 @!p1 $0x1082;
	[sflag:s4] =	ssyncset.s32 $0xFFFFF086  }
0x25: {  	[simem:s6], [sflag:s4] =	dma.local [hbm:s3], $0xF7A  }
0x26: {  	[smem:$0x3F99] =	sst s1;
	(tag) =	ssettag s2;
	_ =	strace s9  }
0x27: {  	s1 =	sld [smem:$0x3FA9]  }
0x28: {  	s2 =	sld [smem:$0x3FAA]  }
0x29: {  	s4 =	sld [smem:$0x3FAC]  }
0x2a: {  	p0 =	seq.s32 s5, $0x0;
	s5 =	sld [smem:$0x3FAD]  }
0x2b: {  	s6 =	sld [smem:$0x3FAE]  }
0x2c: {  	s7 =	sld [smem:$0x3FAF]  }
0x2d: {  	s3 =	simm.s32 $0x108;
	s8 =	sld [smem:$0x3FB0]  }
0x2e: {  	s3 =	simm.s32 @!p0 $0x1082;
	s9 =	sld [smem:$0x3FB1]  }
0x2f: {  	lr =	sadd.s32 s0, s3;
	s0 =	sld [smem:$0x3FA8]  }
0x30: {  	s3 =	sld [smem:$0x3FAB]  }
0x31: {  	[smem:$0x3FB4] =	sst s10  }
0x32: {  	s10 =	sld [smem:$0x3FB2];
	_ =	sdelay $0x3  }
0x33: {  	p0 =	seq.s32 s10, $0x1;
	s10 =	sld [smem:$0x3FB4];
	_ =	sdelay $0x3  }
0x34: {  	[smem:$0x3FB4] =	sst s10  }
0x35: {  	s10 =	sld [smem:$0x3FB3];
	_ =	sdelay $0x3  }
0x36: {  	p1 =	seq.s32 s10, $0x1;
	s10 =	sld [smem:$0x3FB4];
	_ =	sdelay $0x3  }
0x37: {  	[smem:$0x3FB4] =	sst s10  }
0x38: {  	s10 =	sld [smem:$0x3FB5]  }
0x39: {  	_ = 	snop;
	(pc) =	sbr.ind lr, $3  }
0x3a: {  	_ = 	snop  }
0x3b: {  	_ = 	snop  }
0x3c: {  	p2 =	seq.s32 s10, $0x1;
	s10 =	sld [smem:$0x3FB4]  }
0x3d: {  	_ =	shalt  }
0x3e: {  	_ =	shalt  }
0x3f: {  	_ =	shalt  }
0x40: {  	_ =	shalt  }
0x41: {  	_ =	shalt  }
0x42: {  	_ =	shalt  }
0x43: {  	_ =	shalt  }
0x44: {  	_ =	shalt  }
0x45: {  	_ =	shalt  }
0x46: {  	_ =	shalt  }
0x47: {  	_ =	shalt  }
0x48: {  	_ =	shalt  }
0x49: {  	_ =	shalt  }
0x4a: {  	_ =	shalt  }
0x4b: {  	_ =	shalt  }
0x4c: {  	_ =	shalt  }
0x4d: {  	_ =	shalt  }
0x4e: {  	_ =	shalt  }
0x4f: {  	_ =	shalt  }
0x50: {  	_ =	shalt  }
0x51: {  	_ =	shalt  }
0x52: {  	_ =	shalt  }
0x53: {  	_ =	shalt  }
0x54: {  	_ =	shalt  }
0x55: {  	_ =	shalt  }
0x56: {  	_ =	shalt  }
0x57: {  	_ =	shalt  }
0x58: {  	_ =	shalt  }
0x59: {  	_ =	shalt  }
0x5a: {  	_ =	shalt  }
0x5b: {  	_ =	shalt  }
0x5c: {  	_ =	shalt  }
0x5d: {  	_ =	shalt  }
0x5e: {  	_ =	shalt  }
0x5f: {  	_ =	shalt  }
0x60: {  	_ =	shalt  }
0x61: {  	_ =	shalt  }
0x62: {  	_ =	shalt  }
0x63: {  	_ =	shalt  }
0x64: {  	_ =	shalt  }
0x65: {  	_ =	shalt  }
0x66: {  	_ =	shalt  }
0x67: {  	_ =	shalt  }
0x68: {  	_ =	shalt  }
0x69: {  	_ =	shalt  }
0x6a: {  	_ =	shalt  }
0x6b: {  	_ =	shalt  }
0x6c: {  	_ =	shalt  }
0x6d: {  	_ =	shalt  }
0x6e: {  	_ =	shalt  }
0x6f: {  	_ =	shalt  }
0x70: {  	_ =	shalt  }
0x71: {  	_ =	shalt  }
0x72: {  	_ =	shalt  }
0x73: {  	_ =	shalt  }
0x74: {  	_ =	shalt  }
0x75: {  	_ =	shalt  }
0x76: {  	_ =	shalt  }
0x77: {  	_ =	shalt  }
0x78: {  	_ =	shalt  }
0x79: {  	_ =	shalt  }
0x7a: {  	_ =	shalt  }
0x7b: {  	_ =	shalt  }
0x7c: {  	_ =	shalt  }
0x7d: {  	_ =	shalt  }
0x7e: {  	_ =	shalt  }
0x7f: {  	_ =	shalt  }
0x80: {  	_ =	shalt  }
0x81: {  	_ =	shalt  }
0x82: {  	_ =	shalt  }
0x83: {  	_ =	shalt  }
0x84: {  	_ =	shalt  }
0x85: {  	_ =	shalt  }
0x86: {  	_ =	shalt  }
0x87: {  	_ =	shalt  }
.Lfunc_end0:
.L_simem_size_0:
called_computation.2_lowered:
.L_overlay_start_0:
0x88: {  	s2 =	sld [smem:$0x3FD9]  }
0x89: {  	s3 =	sld [smem:$0x3FFE];
	_ =	sdelay $0x1  }
0x8a: {  	s1 =	srdreg.scid  }
0x8b: {  	s0 =	sand.u32 $0x1, s1  }
0x8c: {  	s16 =	sshll.u32 s0, $0xA;
	s2 =	sadd.s32 s3, s2  }
0x8d: {  	s2 =	sadd.s32 s2, s16  }
0x8e: {  	[smem:$0x3FC0] =	sst s2  }
0x8f: {  	_ = 	snop  }
0x90: {  	(tm) =	ssettm $0x1  }
0x91: {  	s17 =	sld [smem:$0x3FFB];
	_ =	sdelay $0x3  }
0x92: {  	_ =	strace s17  }
0x93: {  	s2 =	sld [smem:$0x3FFC];
	_ =	sdelay $0x3  }
0x94: {  	_ =	strace s2  }
0x95: {  	s2 =	sld [smem:$0x3FFD];
	_ =	sdelay $0x3  }
0x96: {  	_ =	strace s2  }
0x97: {  	_ =	strace $0x8FFFFFFF  }
0x98: {  	s18 =	sld [smem:$0x3FDB];
	_ =	sdelay $0x1  }
0x99: {  	s19 =	simm.s32 $_scs_section_size  }
0x9a: {  	s4 =	simm.s32 $_size__tile_overlayer_lowered;
	s5 =	simm.s32 $_tile_overlayer_lowered  }
0x9b: {  	s22 =	simm.s32 $0x1BFF;
	s21 =	sshll.u32 s5, $0x1;
	s2 =	sadd.s32 s19, s18  }
0x9c: {  	s6 =	simm.s32 $0x0;
	s20 =	sshll.u32 s4, $0x1;
	s4 =	sadd.s32 s21, s2  }
0x9d: {  	[timem:s6], [sflag:s22] =	dma.local [hbm:s4], s20  }
0x9e: {  	_ =	swait.ge [sflag:s22], s20  }
0x9f: {  	s3 =	ssub.s32 $0x0, s20;
	[sflag:s22] =	ssyncset.done $0x0  }
0xa0: {  	[sflag:s22] =	ssyncadd.s32 s3;
	_ =	sdelay $0x1  }
0xa1: {  	s23 =	simm.s32 $0x1B8B  }
0xa2: {  	_ =	swait.ge [sflag:s23], $0x1  }
0xa3: {  	[sflag:s23] =	ssyncset.done $0x0  }
0xa4: {  	s25 =	simm.s32 $0x1B8E;
	s24 =	sld [smem:$0x3FFE];
	[sflag:s23] =	ssyncadd.s32 $0xFFFFFFFF  }
0xa5: {  	s26 =	simm.s32 $execute0_lowered;
	[smem:$0x3FD2] =	sst s25  }
0xa6: {  	s4 =	sshll.u32 s26, $0x1;
	_ =	strace $0x8000004C;
	[dreg:$0x1] =	wrdreg $0xFFFFFFFF  }
0xa7: {  	s28 =	simm.s32 $_size_execute0_lowered;
	s2 =	sadd.s32 s2, s4;
	[dreg:$0x0] =	wrdreg $0x0  }
0xa8: {  	s4 =	sshll.u32 s28, $0x1;
	[dreg:$0x2] =	wrdreg s2  }
0xa9: {  	[dreg:$0x3] =	wrdreg s4  }
0xaa: {  	[dreg:$0x4] =	wrdreg $0xC0  }
0xab: {  	_ =	task [dreg:s6], $0x5FFFF  }
0xac: {  	[dreg:$0x1] =	wrdreg $0xFFFFFFFF  }
0xad: {  	[dreg:$0x0] =	wrdreg $0x60  }
0xae: {  	[dreg:$0x2] =	wrdreg s24  }
0xaf: {  	[dreg:$0x3] =	wrdreg $0x91000  }
0xb0: {  	[dreg:$0x4] =	wrdreg $0x9  }
0xb1: {  	_ =	task.clear_ibuf [dreg:s6], $0x5FFFF;
	_ =	strace $0x9000004C  }
0xb2: {  	s29 =	simm.s32 $0x9;
	_ =	strace $0x8000004E  }
0xb3: {  	_ =	swait.ge [sflag:s29], $0x1  }
0xb4: {  	[sflag:s29] =	ssyncadd.s32 $0xFFFFFFFF  }
0xb5: {  	_ =	strace $0x9000004E  }
0xb6: {  	_ =	sfence  }
0xb7: {  	s30 =	sld [smem:$0x0];
	_ =	sdelay $0x2  }
0xb8: {  	s31 =	sshll.u32 s1, $0xD;
	s1 =	sshrl.u32 s1, $0x2  }
0xb9: {  	s3 =	sand.u32 $0x4000, s31;
	s1 =	sadd.s32 s1, s30  }
0xba: {  	s0 =	sor.u32 s3, s0;
	s1 =	sshll.u32 s1, $0x11  }
0xbb: {  	s0 =	sor.u32 s1, s0  }
0xbc: {  	s0 =	sadd.s32 $0x8F2B, s0  }
0xbd: {  	[sflag:s0] =	ssyncadd.remote.s32 $0x1  }
0xbe: {  	_ =	sfence.sel $0xFFFF  }
0xbf: {  	[dreg:$0x0] =	wrdreg $0xFFFFFFFF;
	(pc) =	sbr.abs _section_cstart, $3  }
0xc0: {  	[dreg:$0x1] =	wrdreg $0xFFFFFFFF  }
0xc1: {  	_ =	task.clear_ibuf [dreg:s6], $0x2FFFF;
	_ =	strace $0x9FFFFFFF  }
0xc2: {  	(tm) =	ssettm $0x7FFFFFFF  }
0xc3: {  	_ =	shalt  }
tec
execute0_lowered:
.L_overlay_start_1:
0x0: {  	(tag) =	ssettag $0x1  }
0x1: {  	s0 =	rddreg [dreg:$0x0];
	s1 =	srdreg.scid  }
0x2: {  	s2 =	rddreg [dreg:$0x1];
	s12 =	stileid.u32;
	s3 =	simm.s32 $0x0  }
0x3: {  	s17 =	simm.s32 $0x5;
	s18 =	simm.s32 $0x4000;
	s19 =	simm.s32 $0x50  }
0x4: {  	s20 =	simm.s32 $0x4100;
	s21 =	simm.s32 $0x4080;
	s22 =	simm.s32 $0x6900  }
0x5: {  	s23 =	simm.s32 $0x1;
	s24 =	simm.s32 $0x3;
	s25 =	simm.s32 $0x2  }
0x6: {  	s26 =	simm.s32 $0x4;
	s30 =	simm.s32 $0x0;
	s1 =	sand.u32 $0x1, s1  }
0x7: {  	s5 =	sshll.u32 s12, $0xE;
	[smem:$0x7FF] =	sst s3;
	s8 =	smul.u32 $0x13C00, s12  }
0x8: {  	s6 =	sadd.s32 $0x2E00, s0;
	s11 =	smul.u32 $0x4E200, s12;
	s29 =	sshll.u32 s12, $0x6  }
0x9: {  	s4 =	sshll.u32 s1, $0x12;
	s7 =	smul.u32 $0x13C000, s1;
	_ =	strace $0x8000004D  }
0xa: {  	s1 =	ssub.s32 $0x2, s1;
	s4 =	sor.u32 s5, s4;
	s5 =	sadd.s32 $0x25600, s0  }
0xb: {  	s28 =	sshrl.u32 s1, $0x1;
	s11 =	sshrl.u32 s11, $0x2;
	s10 =	sshrl.u32 s4, $0x3  }
0xc: {  	s8 =	sadd.s32 s8, s7;
	s7 =	sadd.s32 $0x22E00, s0;
	s1 =	ssub.s32 s1, s28  }
0xd: {  	s16 =	sadd.s32 s11, s2;
	s31 =	sor.u32 $0x100, s4;
	s9 =	sadd.s32 s10, s0  }
0xe: {  	s8 =	sshrl.u32 s8, $0x3;
	s10 =	sadd.s32 s6, s10;
	s13 =	smax.u32 s1, $0x1  }
0xf: {  	s16 =	sshrl.u32 s16, $0x3;
	s0 =	sadd.s32 s8, s0;
	s8 =	sor.u32 $0x1C05, s29  }
0x10: {  	s9 =	sadd.s32 $0x12E00, s9;
	s12 =	sadd.s32 $0x4C800, s0;
	s0 =	sshrl.u32 s31, $0x3  }
0x11: {  	s11 =	sadd.s32 $0x10, s10;
	s14 =	sadd.s32 $0x7C0, s10;
	s15 =	sadd.s32 s0, s6  }
.LBB2_1:
0x12: {  	[spmem:s16], [sflag:s8] =	dma.local [hbm:s7], $0x2710  }
0x13: {  	_ =	swait.ge [sflag:s17], $0x2710  }
0x14: {  	[sflag:s17] =	ssyncset.done $0x0  }
0x15: {  	[sflag:s17] =	ssyncadd.s32 $0xFFFFD8F0  }
0x16: {  	[tilespmem:s3], [sflag:$0x5] =	stream.linear.gather [hbm4b:s9+s3], $0x3E80, $0x38;
	[tilespmem:$0x1C980] =	vst v63  }
0x17: {  	_ =	swait.ge [sflag:s17], $0x3E80  }
0x18: {  	[sflag:s17] =	ssyncset.done $0x0  }
0x19: {  	[sflag:s17] =	ssyncadd.s32 $0xFFFFC180  }
0x1a: {  	[bflag:$0x0] =	sbarrier.arrive $0xFFFF  }
0x1b: {  	[tilespmem:s18], [sflag:$0x3] =	stream.linear.gather [hbm4b:s10+s3], $0x80, $0x38;
	[tilespmem:$0x1C980] =	vst v63  }
0x1c: {  	_ = 	snop  }
0x1d: {  	[tilespmem:s20], [sflag:$0x1] =	stream.indirect.gather [hbm4b:s5+s19], $0x80, s3, s19, $0xb8;
	[tilespmem:$0x1C980] =	vst v63  }
0x1e: {  	_ = 	snop  }
0x1f: {  	[tilespmem:s21], [sflag:$0x4] =	stream.linear.gather [hbm4b:s11+s3], $0x80, $0x38;
	[tilespmem:$0x1C980] =	vst v63  }
0x20: {  	s31 =	simm.s32 $0x80  }
0x21: {  	[tilespmem:s22], [sflag:$0x2] =	stream.indirect.gather [hbm4b:s5+s19], $0x80, s31, s19, $0xb8;
	[tilespmem:$0x1C980] =	vst v63  }
0x22: {  	_ =	swait.ge [sflag:s23], $0x2800  }
0x23: {  	[sflag:s23] =	ssyncset.done $0x0  }
0x24: {  	[sflag:s23] =	ssyncadd.s32 $0xFFFFD800  }
0x25: {  	_ =	swait.ge [sflag:s24], $0x80  }
0x26: {  	[sflag:s24] =	ssyncset.done $0x0  }
0x27: {  	[sflag:s24] =	ssyncadd.s32 $0xFFFFFF80  }
0x28: {  	[spmem:s2] =	stream.indirect.scatter.add.f32 [tilespmem:s20], [sflag:$0x5], $0x80, s18, s19, $0xb8;
	[tilespmem:$0x1C980] =	vst v63  }
0x29: {  	_ =	swait.ge [sflag:s17], $0x2800  }
0x2a: {  	[sflag:s17] =	ssyncset.done $0x0  }
0x2b: {  	s0 =	simm.s32 $0x100;
	[sflag:s17] =	ssyncadd.s32 $0xFFFFD800  }
0x2c: {  	[tilespmem:s20], [sflag:$0x1] =	stream.indirect.gather [hbm4b:s5+s19], $0x80, s0, s19, $0xb8;
	[tilespmem:$0x1C980] =	vst v63  }
0x2d: {  	_ = 	snop  }
0x2e: {  	[tilespmem:s18], [sflag:$0x3] =	stream.linear.gather [hbm4b:s15+s3], $0x80, $0x38;
	[tilespmem:$0x1C980] =	vst v63  }
0x2f: {  	_ =	swait.ge [sflag:s25], $0x2800  }
0x30: {  	[sflag:s25] =	ssyncset.done $0x0  }
0x31: {  	s29 =	simm.s32 $0x180;
	[sflag:s25] =	ssyncadd.s32 $0xFFFFD800  }
0x32: {  	s1 =	sand.u32 $0x7C00, s29;
	_ =	swait.ge [sflag:s26], $0x80  }
0x33: {  	s28 =	sand.u32 $0x380, s29;
	s1 =	sadd.s32 s4, s1;
	[sflag:s26] =	ssyncset.done $0x0  }
0x34: {  	s1 =	sor.u32 s28, s1;
	[sflag:s26] =	ssyncadd.s32 $0xFFFFFF80  }
0x35: {  	[spmem:s2] =	stream.indirect.scatter.add.f32 [tilespmem:s22], [sflag:$0x5], $0x80, s21, s19, $0xb8;
	[tilespmem:$0x1C980] =	vst v63  }
0x36: {  	s28 =	sshrl.u32 s1, $0x3;
	_ =	swait.ge [sflag:s17], $0x2800  }
0x37: {  	s1 =	sadd.s32 $0x20, s15;
	s0 =	simm.s32 $0x280;
	[sflag:s17] =	ssyncset.done $0x0  }
.LBB2_2:
0x38: {  	[sflag:s17] =	ssyncadd.s32 $0xFFFFD800;
	s28 =	sadd.s32 s6, s28;
	s31 =	sadd.s32 $0x100, s31  }
0x39: {  	[tilespmem:s21], [sflag:$0x4] =	stream.linear.gather [hbm4b:s28+s3], $0x80, $0x38;
	[tilespmem:$0x1C980] =	vst v63  }
0x3a: {  	p0 =	sne.s32 s0, $0x3D80;
	s28 =	smov.u32 s0;
	s0 =	sadd.s32 $0x100, s0  }
0x3b: {  	[tilespmem:s22], [sflag:$0x2] =	stream.indirect.gather [hbm4b:s5+s19], $0x80, s31, s19, $0xb8;
	[tilespmem:$0x1C980] =	vst v63  }
0x3c: {  	_ =	swait.ge [sflag:s23], $0x2800  }
0x3d: {  	[sflag:s23] =	ssyncset.done $0x0  }
0x3e: {  	[sflag:s23] =	ssyncadd.s32 $0xFFFFD800  }
0x3f: {  	_ =	swait.ge [sflag:s24], $0x80  }
0x40: {  	[sflag:s24] =	ssyncset.done $0x0  }
0x41: {  	[sflag:s24] =	ssyncadd.s32 $0xFFFFFF80  }
0x42: {  	[spmem:s2] =	stream.indirect.scatter.add.f32 [tilespmem:s20], [sflag:$0x5], $0x80, s18, s19, $0xb8;
	[tilespmem:$0x1C980] =	vst v63  }
0x43: {  	_ =	swait.ge [sflag:s17], $0x2800  }
0x44: {  	s29 =	sadd.s32 $0x80, s31;
	[sflag:s17] =	ssyncset.done $0x0  }
0x45: {  	[sflag:s17] =	ssyncadd.s32 $0xFFFFD800  }
0x46: {  	[tilespmem:s20], [sflag:$0x1] =	stream.indirect.gather [hbm4b:s5+s19], $0x80, s29, s19, $0xb8;
	[tilespmem:$0x1C980] =	vst v63  }
0x47: {  	_ = 	snop  }
0x48: {  	[tilespmem:s18], [sflag:$0x3] =	stream.linear.gather [hbm4b:s1+s3], $0x80, $0x38;
	[tilespmem:$0x1C980] =	vst v63  }
0x49: {  	_ =	swait.ge [sflag:s25], $0x2800  }
0x4a: {  	[sflag:s25] =	ssyncset.done $0x0  }
0x4b: {  	[sflag:s25] =	ssyncadd.s32 $0xFFFFD800  }
0x4c: {  	_ =	swait.ge [sflag:s26], $0x80  }
.Ltmp0:
0x4d: {  	s29 =	sand.u32 $0x7C00, s28;
	[sflag:s26] =	ssyncset.done $0x0;
	(pc) =	sbr.rel @p0 .LBB2_2-.Ltmp0, $4  }
0x4e: {  	s28 =	sand.u32 $0x380, s28;
	s29 =	sadd.s32 s4, s29;
	[sflag:s26] =	ssyncadd.s32 $0xFFFFFF80  }
0x4f: {  	[spmem:s2] =	stream.indirect.scatter.add.f32 [tilespmem:s22], [sflag:$0x5], $0x80, s21, s19, $0xb8;
	[tilespmem:$0x1C980] =	vst v63  }
0x50: {  	s28 =	sor.u32 s28, s29;
	_ =	swait.ge [sflag:s17], $0x2800  }
0x51: {  	s1 =	sadd.s32 $0x20, s1;
	s28 =	sshrl.u32 s28, $0x3;
	[sflag:s17] =	ssyncset.done $0x0  }
0x52: {  	[sflag:s17] =	ssyncadd.s32 $0xFFFFD800;
	s0 =	sadd.s32 s6, s28  }
0x53: {  	[tilespmem:s21], [sflag:$0x4] =	stream.linear.gather [hbm4b:s0+s3], $0x80, $0x38;
	[tilespmem:$0x1C980] =	vst v63  }
0x54: {  	s29 =	simm.s32 $0x3D80  }
0x55: {  	[tilespmem:s22], [sflag:$0x2] =	stream.indirect.gather [hbm4b:s5+s19], $0x80, s29, s19, $0xb8;
	[tilespmem:$0x1C980] =	vst v63  }
0x56: {  	_ =	swait.ge [sflag:s23], $0x2800  }
0x57: {  	[sflag:s23] =	ssyncset.done $0x0  }
0x58: {  	[sflag:s23] =	ssyncadd.s32 $0xFFFFD800  }
0x59: {  	_ =	swait.ge [sflag:s24], $0x80  }
0x5a: {  	[sflag:s24] =	ssyncset.done $0x0  }
0x5b: {  	[sflag:s24] =	ssyncadd.s32 $0xFFFFFF80  }
0x5c: {  	[spmem:s2] =	stream.indirect.scatter.add.f32 [tilespmem:s20], [sflag:$0x5], $0x80, s18, s19, $0xb8;
	[tilespmem:$0x1C980] =	vst v63  }
0x5d: {  	_ =	swait.ge [sflag:s17], $0x2800  }
0x5e: {  	[sflag:s17] =	ssyncset.done $0x0  }
0x5f: {  	s31 =	simm.s32 $0x3E00;
	[sflag:s17] =	ssyncadd.s32 $0xFFFFD800  }
0x60: {  	[tilespmem:s20], [sflag:$0x1] =	stream.indirect.gather [hbm4b:s5+s19], $0x80, s31, s19, $0xb8;
	[tilespmem:$0x1C980] =	vst v63  }
0x61: {  	_ = 	snop  }
0x62: {  	[tilespmem:s18], [sflag:$0x3] =	stream.linear.gather [hbm4b:s14+s3], $0x80, $0x38;
	[tilespmem:$0x1C980] =	vst v63  }
0x63: {  	_ =	swait.ge [sflag:s25], $0x2800  }
0x64: {  	[sflag:s25] =	ssyncset.done $0x0  }
0x65: {  	[sflag:s25] =	ssyncadd.s32 $0xFFFFD800  }
0x66: {  	_ =	swait.ge [sflag:s26], $0x80  }
0x67: {  	[sflag:s26] =	ssyncset.done $0x0  }
0x68: {  	[sflag:s26] =	ssyncadd.s32 $0xFFFFFF80  }
0x69: {  	[spmem:s2] =	stream.indirect.scatter.add.f32 [tilespmem:s22], [sflag:$0x5], $0x80, s21, s19, $0xb8;
	[tilespmem:$0x1C980] =	vst v63  }
0x6a: {  	_ =	swait.ge [sflag:s17], $0x2800  }
0x6b: {  	[sflag:s17] =	ssyncset.done $0x0  }
0x6c: {  	[sflag:s17] =	ssyncadd.s32 $0xFFFFD800  }
0x6d: {  	[tilespmem:s21], [sflag:$0x4] =	stream.linear.gather [hbm4b:s14+s3], $0x80, $0x38;
	[tilespmem:$0x1C980] =	vst v63  }
0x6e: {  	_ =	swait.ge [sflag:s23], $0x2800  }
0x6f: {  	[sflag:s23] =	ssyncset.done $0x0  }
0x70: {  	[sflag:s23] =	ssyncadd.s32 $0xFFFFD800  }
0x71: {  	_ =	swait.ge [sflag:s24], $0x80  }
0x72: {  	[sflag:s24] =	ssyncset.done $0x0  }
0x73: {  	[sflag:s24] =	ssyncadd.s32 $0xFFFFFF80  }
0x74: {  	[spmem:s2] =	stream.indirect.scatter.add.f32 [tilespmem:s20], [sflag:$0x5], $0x80, s18, s19, $0xb8;
	[tilespmem:$0x1C980] =	vst v63  }
0x75: {  	_ =	swait.ge [sflag:s17], $0x2800  }
0x76: {  	[sflag:s17] =	ssyncset.done $0x0  }
0x77: {  	[sflag:s17] =	ssyncadd.s32 $0xFFFFD800  }
0x78: {  	_ =	swait.ge [sflag:s26], $0x80  }
0x79: {  	s30 =	sadd.s32 $0x1, s30;
	[sflag:s26] =	ssyncset.done $0x0  }
0x7a: {  	p0 =	sne.s32 s30, s13;
	[sflag:s26] =	ssyncadd.s32 $0xFFFFFF80  }
.Ltmp1:
0x7b: {  	[bflag:$0x0] =	sbarrier.arrive $0xFFFF;
	(pc) =	sbr.rel @p0 .LBB2_1-.Ltmp1, $4  }
0x7c: {  	[hbm:s12], [sflag:s8] =	dma.local [spmem:s16], $0x2710  }
0x7d: {  	_ =	swait.ge [sflag:s17], $0x2710  }
0x7e: {  	[sflag:s17] =	ssyncset.done $0x0  }
0x7f: {  	[sflag:s17] =	ssyncadd.s32 $0xFFFFD8F0  }
0x80: {  	_ =	sfence.sel $0x180000  }
0x81: {  	[bflag:$0x0] =	sbarrier.arrive $0xFFFF  }
0x82: {  	_ =	strace $0x9000004D  }
0x83: {  	s0 =	stileid.u32;
	[bflag:$0x2] =	sbarrier.arrive $0xFFFF  }
0x84: {  	p0 =	sne.s32 s0, $0x0;
	s0 =	rddreg [dreg:$0x2]  }
0x85: {  	s0 =	sadd.s32 @!p0 $0x100000, s0  }
0x86: {  	[sflag:s0] =	ssyncadd.tile.s32 @!p0 $0x1;
	_ =	shalt  }
.Lfunc_end2:
_tile_overlayer_lowered:
.L_overlay_start_2:
0x87: {  	(tag) =	ssettag $0x2  }
0x88: {  	s0 =	rddreg [dreg:$0x0];
	s2 =	stileid.u32  }
0x89: {  	s1 =	rddreg [dreg:$0x1];
	p0 =	sne.s32 s2, $0x0  }
0x8a: {  	s3 =	rddreg [dreg:$0x2];
	[bflag:$0x3] =	sbarrier.arrive $0xFFFF;
	s2 =	simm.s32 @!p0 $0x1C05  }
0x8b: {  	[timem:s3], [sflag:s2] =	dma.local @!p0 [hbm:s0], s1  }
0x8c: {  	s0 =	simm.s32 @!p0 $0x5  }
0x8d: {  	_ =	swait.ge @!p0 [sflag:s0], s1  }
0x8e: {  	s1 =	ssub.s32 @!p0 $0x0, s1;
	[sflag:s0] =	ssyncset.done @!p0 $0x0  }
0x8f: {  	[sflag:s0] =	ssyncadd.s32 @!p0 s1  }
0x90: {  	[bflag:$0x3] =	sbarrier.arrive $0xFFFF  }
0x91: {  	_ =	shalt  }

// kernel: sage_sc_deg.3.cloned.1.call-start
scs
__scs_entry_jumppad:
0x0: {  	(pc) =	sbr.rel $0x88, $3  }
0x1: {  	(tag) =	ssettag $0x0;
	lr =	simm.s32 $0x1  }
0x2: {  	[smem:$0x3F99] =	sst lr;
	_ =	strace $0xD0000000  }
0x3: {  	_ = 	snop  }
0x4: {  	_ = 	snop  }
0x5: {  	_ = 	snop  }
0x6: {  	_ = 	snop  }
0x7: {  	_ = 	snop  }
__scs_overlays_trampoline_lowered:
0x8: {  	[smem:$0x3FA8] =	sst s0  }
0x9: {  	[smem:$0x3FA9] =	sst s1  }
0xa: {  	[smem:$0x3FAA] =	sst s2  }
0xb: {  	[smem:$0x3FAB] =	sst s3  }
0xc: {  	[smem:$0x3FAC] =	sst s4  }
0xd: {  	[smem:$0x3FAD] =	sst s5  }
0xe: {  	[smem:$0x3FAE] =	sst s6  }
0xf: {  	[smem:$0x3FAF] =	sst s7  }
0x10: {  	[smem:$0x3FB0] =	sst s8  }
0x11: {  	[smem:$0x3FB1] =	sst s9;
	s0 =	simm.s32 @!p0 $0x0  }
0x12: {  	s1 =	sld [smem:$0x3F97];
	s0 =	simm.s32 @p0 $0x1  }
0x13: {  	[smem:$0x3FB2] =	sst s0;
	s0 =	simm.s32 @!p1 $0x0  }
0x14: {  	s2 =	sld [smem:$0x3F96];
	s0 =	simm.s32 @p1 $0x1  }
0x15: {  	[smem:$0x3FB3] =	sst s0;
	s0 =	simm.s32 @!p2 $0x0  }
0x16: {  	s3 =	sld [smem:$0x3FDB];
	s0 =	simm.s32 @p2 $0x1  }
0x17: {  	s4 =	simm.s32 $0x1BF5;
	[smem:$0x3FB5] =	sst s0  }
0x18: {  	s0 =	sld [smem:$0x3F98];
	_ =	swait.ge [sflag:s4], $0x0  }
0x19: {  	s7 =	sld [smem:$0x3F99]  }
0x1a: {  	s8 =	sadd.s32 $0xFFFFE003, lr  }
0x1b: {  	s9 =	sadd.s32 $0xFFFFFEF7, lr;
	s5 =	simm.s32 $0xFFFFFFFF;
	p2 =	slt.u32 s8, $0xFFFFF086  }
0x1c: {  	p1 =	slt.u32 s9, $0xF7A;
	s5 =	simm.s32 @!p2 $0x0  }
0x1d: {  	s5 =	simm.s32 @p1 $0x1;
	p0 =	seq.s32 s7, s2  }
0x1e: {  	s7 =	smul.u32 @!p0 $0xF7A, s2;
	p2 =	seq.s32 @!p0 s5, $0x0  }
0x1f: {  	s9 =	smul.u32 $0xF7A, s1;
	s8 =	simm.s32 @!p0 $0x1BF5;
	p2 =	por !p2, p0  }
0x20: {  	[sflag:s8] =	ssyncset.s32 @!p0 $0xFFFFF086;
	s6 =	sadd.s32 @!p0 s3, s7;
	s7 =	simm.s32 @!p0 $0x108  }
0x21: {  	s3 =	sadd.s32 s3, s9;
	s6 =	sadd.s32 @!p0 $0x88, s6;
	s7 =	simm.s32 @p2 $0x1082  }
0x22: {  	[simem:s7], [sflag:s8] =	dma.local @!p0 [hbm:s6], $0xF7A  }
0x23: {  	s9 =	sor.u32 $0xD0000000, s2;
	s6 =	simm.s32 $0x108;
	_ =	swait.ge @!p0 [sflag:s8], $0x0  }
0x24: {  	s3 =	sadd.s32 $0x88, s3;
	s6 =	simm.s32 @!p1 $0x1082;
	[sflag:s4] =	ssyncset.s32 $0xFFFFF086  }
0x25: {  	[simem:s6], [sflag:s4] =	dma.local [hbm:s3], $0xF7A  }
0x26: {  	[smem:$0x3F99] =	sst s1;
	(tag) =	ssettag s2;
	_ =	strace s9  }
0x27: {  	s1 =	sld [smem:$0x3FA9]  }
0x28: {  	s2 =	sld [smem:$0x3FAA]  }
0x29: {  	s4 =	sld [smem:$0x3FAC]  }
0x2a: {  	p0 =	seq.s32 s5, $0x0;
	s5 =	sld [smem:$0x3FAD]  }
0x2b: {  	s6 =	sld [smem:$0x3FAE]  }
0x2c: {  	s7 =	sld [smem:$0x3FAF]  }
0x2d: {  	s3 =	simm.s32 $0x108;
	s8 =	sld [smem:$0x3FB0]  }
0x2e: {  	s3 =	simm.s32 @!p0 $0x1082;
	s9 =	sld [smem:$0x3FB1]  }
0x2f: {  	lr =	sadd.s32 s0, s3;
	s0 =	sld [smem:$0x3FA8]  }
0x30: {  	s3 =	sld [smem:$0x3FAB]  }
0x31: {  	[smem:$0x3FB4] =	sst s10  }
0x32: {  	s10 =	sld [smem:$0x3FB2];
	_ =	sdelay $0x3  }
0x33: {  	p0 =	seq.s32 s10, $0x1;
	s10 =	sld [smem:$0x3FB4];
	_ =	sdelay $0x3  }
0x34: {  	[smem:$0x3FB4] =	sst s10  }
0x35: {  	s10 =	sld [smem:$0x3FB3];
	_ =	sdelay $0x3  }
0x36: {  	p1 =	seq.s32 s10, $0x1;
	s10 =	sld [smem:$0x3FB4];
	_ =	sdelay $0x3  }
0x37: {  	[smem:$0x3FB4] =	sst s10  }
0x38: {  	s10 =	sld [smem:$0x3FB5]  }
0x39: {  	_ = 	snop;
	(pc) =	sbr.ind lr, $3  }
0x3a: {  	_ = 	snop  }
0x3b: {  	_ = 	snop  }
0x3c: {  	p2 =	seq.s32 s10, $0x1;
	s10 =	sld [smem:$0x3FB4]  }
0x3d: {  	_ =	shalt  }
0x3e: {  	_ =	shalt  }
0x3f: {  	_ =	shalt  }
0x40: {  	_ =	shalt  }
0x41: {  	_ =	shalt  }
0x42: {  	_ =	shalt  }
0x43: {  	_ =	shalt  }
0x44: {  	_ =	shalt  }
0x45: {  	_ =	shalt  }
0x46: {  	_ =	shalt  }
0x47: {  	_ =	shalt  }
0x48: {  	_ =	shalt  }
0x49: {  	_ =	shalt  }
0x4a: {  	_ =	shalt  }
0x4b: {  	_ =	shalt  }
0x4c: {  	_ =	shalt  }
0x4d: {  	_ =	shalt  }
0x4e: {  	_ =	shalt  }
0x4f: {  	_ =	shalt  }
0x50: {  	_ =	shalt  }
0x51: {  	_ =	shalt  }
0x52: {  	_ =	shalt  }
0x53: {  	_ =	shalt  }
0x54: {  	_ =	shalt  }
0x55: {  	_ =	shalt  }
0x56: {  	_ =	shalt  }
0x57: {  	_ =	shalt  }
0x58: {  	_ =	shalt  }
0x59: {  	_ =	shalt  }
0x5a: {  	_ =	shalt  }
0x5b: {  	_ =	shalt  }
0x5c: {  	_ =	shalt  }
0x5d: {  	_ =	shalt  }
0x5e: {  	_ =	shalt  }
0x5f: {  	_ =	shalt  }
0x60: {  	_ =	shalt  }
0x61: {  	_ =	shalt  }
0x62: {  	_ =	shalt  }
0x63: {  	_ =	shalt  }
0x64: {  	_ =	shalt  }
0x65: {  	_ =	shalt  }
0x66: {  	_ =	shalt  }
0x67: {  	_ =	shalt  }
0x68: {  	_ =	shalt  }
0x69: {  	_ =	shalt  }
0x6a: {  	_ =	shalt  }
0x6b: {  	_ =	shalt  }
0x6c: {  	_ =	shalt  }
0x6d: {  	_ =	shalt  }
0x6e: {  	_ =	shalt  }
0x6f: {  	_ =	shalt  }
0x70: {  	_ =	shalt  }
0x71: {  	_ =	shalt  }
0x72: {  	_ =	shalt  }
0x73: {  	_ =	shalt  }
0x74: {  	_ =	shalt  }
0x75: {  	_ =	shalt  }
0x76: {  	_ =	shalt  }
0x77: {  	_ =	shalt  }
0x78: {  	_ =	shalt  }
0x79: {  	_ =	shalt  }
0x7a: {  	_ =	shalt  }
0x7b: {  	_ =	shalt  }
0x7c: {  	_ =	shalt  }
0x7d: {  	_ =	shalt  }
0x7e: {  	_ =	shalt  }
0x7f: {  	_ =	shalt  }
0x80: {  	_ =	shalt  }
0x81: {  	_ =	shalt  }
0x82: {  	_ =	shalt  }
0x83: {  	_ =	shalt  }
0x84: {  	_ =	shalt  }
0x85: {  	_ =	shalt  }
0x86: {  	_ =	shalt  }
0x87: {  	_ =	shalt  }
.Lfunc_end0:
.L_simem_size_0:
called_computation_lowered:
.L_overlay_start_0:
0x88: {  	s2 =	sld [smem:$0x3FD9]  }
0x89: {  	s3 =	sld [smem:$0x3FFE];
	_ =	sdelay $0x1  }
0x8a: {  	s1 =	srdreg.scid  }
0x8b: {  	s0 =	sand.u32 $0x1, s1  }
0x8c: {  	s17 =	sshll.u32 s0, $0xA;
	s2 =	sadd.s32 s3, s2  }
0x8d: {  	s2 =	sadd.s32 s2, s17  }
0x8e: {  	[smem:$0x3FC0] =	sst s2  }
0x8f: {  	_ = 	snop  }
0x90: {  	s18 =	sld [smem:$0x3FD0];
	(tm) =	ssettm $0x1  }
0x91: {  	s19 =	sld [smem:$0x3FFB];
	_ =	sdelay $0x3  }
0x92: {  	_ =	strace s19  }
0x93: {  	s2 =	sld [smem:$0x3FFC];
	_ =	sdelay $0x3  }
0x94: {  	_ =	strace s2  }
0x95: {  	s2 =	sld [smem:$0x3FFD];
	_ =	sdelay $0x3  }
0x96: {  	_ =	strace s2  }
0x97: {  	_ =	strace $0x8FFFFFFF  }
0x98: {  	s20 =	sld [smem:$0x3FDB];
	_ =	sdelay $0x1  }
0x99: {  	s4 =	simm.s32 $_scs_section_size  }
0x9a: {  	s5 =	simm.s32 $_size__tile_overlayer_lowered;
	s6 =	simm.s32 $_tile_overlayer_lowered  }
0x9b: {  	s7 =	simm.s32 $0x1BFF;
	s21 =	sshll.u32 s6, $0x1;
	s4 =	sadd.s32 s4, s20  }
0x9c: {  	s22 =	simm.s32 $0x0;
	s5 =	sshll.u32 s5, $0x1;
	s6 =	sadd.s32 s21, s4  }
0x9d: {  	[timem:s22], [sflag:s7] =	dma.local [hbm:s6], s5  }
0x9e: {  	_ =	swait.ge [sflag:s7], s5  }
0x9f: {  	s5 =	ssub.s32 $0x0, s5;
	[sflag:s7] =	ssyncset.done $0x0  }
0xa0: {  	[sflag:s7] =	ssyncadd.s32 s5;
	_ =	sdelay $0x1  }
0xa1: {  	s23 =	simm.s32 $0x1B8B  }
0xa2: {  	_ =	swait.ge [sflag:s23], $0x1  }
0xa3: {  	[sflag:s23] =	ssyncset.done $0x0  }
0xa4: {  	[sflag:s23] =	ssyncadd.s32 $0xFFFFFFFF  }
0xa5: {  	s5 =	sld [smem:$0x0]  }
0xa6: {  	s6 =	sand.u32 $0xFFFFFFFE, s1  }
0xa7: {  	p0 =	sne.s32 s1, s6  }
0xa8: {  	s6 =	sshll.u32 @p0 s6, $0xE  }
0xa9: {  	s6 =	sadd.s32 @p0 $0x11B8D, s6;
	s7 =	sshll.u32 @p0 s5, $0x11  }
0xaa: {  	s6 =	sor.u32 @p0 s7, s6  }
0xab: {  	[sflag:s6] =	ssyncadd.remote.s32 @p0 $0x1;
	_ =	sdelay $0x1  }
0xac: {  	s6 =	simm.s32 @p0 $0x1B8D  }
0xad: {  	_ =	swait.eq @p0 [sflag:s6], $0x1  }
0xae: {  	[sflag:s6] =	ssyncadd.s32 @p0 $0xFFFFFFFF  }
0xaf: {  	s7 =	sshll.u32 @!p0 s1, $0xE  }
0xb0: {  	s7 =	sor.u32 @!p0 $0x4000, s7;
	s6 =	simm.s32 @!p0 $0x1B8D  }
0xb1: {  	s5 =	sshll.u32 @!p0 s5, $0x11;
	s7 =	sadd.s32 @!p0 $0x11B8D, s7;
	_ =	swait.eq @!p0 [sflag:s6], $0x1  }
0xb2: {  	s5 =	sor.u32 @!p0 s5, s7;
	[sflag:s6] =	ssyncadd.s32 @!p0 $0xFFFFFFFF  }
0xb3: {  	s25 =	simm.s32 $0x1B8E;
	s24 =	sld [smem:$0x3FFE];
	[sflag:s5] =	ssyncadd.remote.s32 @!p0 $0x1  }
0xb4: {  	s26 =	simm.s32 $execute0_lowered;
	[smem:$0x3FD2] =	sst s25  }
0xb5: {  	s6 =	sshll.u32 s26, $0x1;
	_ =	strace $0x80000049;
	[dreg:$0x1] =	wrdreg $0xFFFFFFFF  }
0xb6: {  	s28 =	simm.s32 $_size_execute0_lowered;
	s4 =	sadd.s32 s4, s6;
	[dreg:$0x0] =	wrdreg $0x0  }
0xb7: {  	s6 =	sshll.u32 s28, $0x1;
	[dreg:$0x2] =	wrdreg s4  }
0xb8: {  	[dreg:$0x3] =	wrdreg s6  }
0xb9: {  	[dreg:$0x4] =	wrdreg $0xC0  }
0xba: {  	_ =	task [dreg:s22], $0x5FFFF  }
0xbb: {  	[dreg:$0x1] =	wrdreg $0xFFFFFFFF  }
0xbc: {  	[dreg:$0x0] =	wrdreg $0x60  }
0xbd: {  	[dreg:$0x2] =	wrdreg s24  }
0xbe: {  	[dreg:$0x3] =	wrdreg s18  }
0xbf: {  	[dreg:$0x4] =	wrdreg $0x68000  }
0xc0: {  	[dreg:$0x5] =	wrdreg $0x9  }
0xc1: {  	_ =	task.clear_ibuf [dreg:s22], $0x6FFFF;
	_ =	strace $0x90000049  }
0xc2: {  	s29 =	simm.s32 $0x9;
	_ =	strace $0x8000004B  }
0xc3: {  	_ =	swait.ge [sflag:s29], $0x1  }
0xc4: {  	[sflag:s29] =	ssyncadd.s32 $0xFFFFFFFF  }
0xc5: {  	_ =	strace $0x9000004B  }
0xc6: {  	_ =	sfence  }
0xc7: {  	s30 =	sld [smem:$0x0];
	_ =	sdelay $0x2  }
0xc8: {  	s31 =	sshll.u32 s1, $0xD;
	s1 =	sshrl.u32 s1, $0x2  }
0xc9: {  	s4 =	sand.u32 $0x4000, s31;
	s1 =	sadd.s32 s1, s30  }
0xca: {  	s0 =	sor.u32 s4, s0;
	s1 =	sshll.u32 s1, $0x11  }
0xcb: {  	s0 =	sor.u32 s1, s0  }
0xcc: {  	s0 =	sadd.s32 $0x8F2B, s0  }
0xcd: {  	[sflag:s0] =	ssyncadd.remote.s32 $0x1  }
0xce: {  	_ =	sfence.sel $0xFFFF  }
0xcf: {  	[dreg:$0x0] =	wrdreg $0xFFFFFFFF;
	(pc) =	sbr.abs _section_cstart, $3  }
0xd0: {  	[dreg:$0x1] =	wrdreg $0xFFFFFFFF  }
0xd1: {  	_ =	task.clear_ibuf [dreg:s22], $0x2FFFF;
	_ =	strace $0x9FFFFFFF  }
0xd2: {  	(tm) =	ssettm $0x7FFFFFFF  }
0xd3: {  	_ =	shalt  }
tec
execute0_lowered:
.L_overlay_start_1:
0x0: {  	(tag) =	ssettag $0x1  }
0x1: {  	s6 =	rddreg [dreg:$0x0]  }
0x2: {  	s1 =	rddreg [dreg:$0x1]  }
0x3: {  	s2 =	rddreg [dreg:$0x2];
	s3 =	srdreg.scid  }
0x4: {  	s0 =	rddreg [dreg:$0x3];
	s4 =	simm.s32 $0x0;
	s13 =	simm.s32 $0x50  }
0x5: {  	s14 =	simm.s32 $0x1;
	s7 =	sand.u32 $0x1, s3;
	s3 =	stileid.u32  }
0x6: {  	s15 =	simm.s32 $0x0;
	[smem:$0x7FF] =	sst s4;
	s5 =	smul.u32 $0x13C000, s7  }
0x7: {  	s8 =	smul.u32 $0x13C00, s3;
	_ =	strace $0x8000004A;
	s9 =	sshll.u32 s3, $0xB  }
0x8: {  	s29 =	ssub.s32 $0x2, s7;
	s12 =	smul.u32 $0x4E200, s3;
	s31 =	sshll.u32 s3, $0x6  }
0x9: {  	s7 =	sshll.u32 s7, $0xF;
	s9 =	sadd.s32 s9, s6;
	s11 =	sshrl.u32 s29, $0x1  }
0xa: {  	s5 =	sadd.s32 s8, s5;
	s11 =	ssub.s32 s29, s11;
	s30 =	sshrl.u32 s12, $0x2  }
0xb: {  	s7 =	sadd.s32 s7, s9;
	s10 =	sshrl.u32 s5, $0x3;
	s5 =	sadd.s32 $0x22E00, s6  }
0xc: {  	s12 =	sadd.s32 s30, s2;
	s7 =	sadd.s32 $0x2E00, s7;
	s9 =	smax.u32 s11, $0x1  }
0xd: {  	s11 =	simm.s32 $0x2;
	s10 =	sadd.s32 s10, s6;
	s6 =	sor.u32 $0x1C02, s31  }
0xe: {  	s8 =	sadd.s32 $0x74600, s10;
	s10 =	sshrl.u32 s12, $0x3;
	s12 =	simm.s32 $0x4000  }
.LBB2_1:
0xf: {  	[spmem:s10], [sflag:s6] =	dma.local [hbm:s5], $0x2710  }
0x10: {  	_ =	swait.ge [sflag:s11], $0x2710  }
0x11: {  	[sflag:s11] =	ssyncset.done $0x0  }
0x12: {  	[sflag:s11] =	ssyncadd.s32 $0xFFFFD8F0  }
0x13: {  	[tilespmem:s12], [sflag:$0x2] =	stream.linear.gather [hbm4b:s1+s4], $0x2800, $0x38;
	[tilespmem:$0x1A080] =	vst v63  }
0x14: {  	_ =	swait.ge [sflag:s11], $0x2800  }
0x15: {  	[sflag:s11] =	ssyncset.done $0x0  }
0x16: {  	[sflag:s11] =	ssyncadd.s32 $0xFFFFD800  }
0x17: {  	[tilespmem:s4], [sflag:$0x2] =	stream.linear.gather [hbm4b:s7+s4], $0x3E80, $0x38;
	[tilespmem:$0x1A080] =	vst v63  }
0x18: {  	_ =	swait.ge [sflag:s11], $0x3E80  }
0x19: {  	[sflag:s11] =	ssyncset.done $0x0  }
0x1a: {  	[sflag:s11] =	ssyncadd.s32 $0xFFFFC180  }
0x1b: {  	s16 =	simm.s32 $0x0;
	[bflag:$0x0] =	sbarrier.arrive $0xFFFF  }
.LBB2_2:
0x1c: {  	p0 =	sne.s32 s16, $0xF800  }
.Ltmp0:
0x1d: {  	_ = 	snop;
	(pc) =	sbr.rel @p0 .LBB2_2-.Ltmp0, $3  }
0x1e: {  	_ =	sdelay $0x1  }
0x1f: {  	s17 =	sshra.s32 s16, $0x2;
	s16 =	sadd.s32 $0x200, s16  }
0x20: {  	[spmem:s2] =	stream.indirect.scatter.add.f32 [tilespmem:s12], [sflag:$0x1], $0x80, s17, s13, $0xb8;
	[tilespmem:$0x1A080] =	vst v63  }
0x21: {  	_ =	swait.ge [sflag:s14], $0x2800  }
0x22: {  	s16 =	simm.s32 $0x7C;
	[sflag:s14] =	ssyncset.done $0x0  }
.LBB2_4:
0x23: {  	p0 =	sne.s32 s16, $0x1;
	s16 =	sadd.s32 $0xFFFFFFFF, s16;
	[sflag:s14] =	ssyncadd.s32 $0xFFFFD800  }
.Ltmp1:
0x24: {  	(pc) =	sbr.rel @p0 .LBB2_4-.Ltmp1, $3  }
0x25: {  	_ =	sdelay $0x1  }
0x26: {  	_ =	swait.ge [sflag:s14], $0x2800  }
0x27: {  	[sflag:s14] =	ssyncset.done $0x0  }
0x28: {  	s15 =	sadd.s32 $0x1, s15  }
0x29: {  	[sflag:s14] =	ssyncadd.s32 $0xFFFFD800;
	p0 =	sne.s32 s15, s9  }
.Ltmp2:
0x2a: {  	[bflag:$0x0] =	sbarrier.arrive $0xFFFF;
	(pc) =	sbr.rel @p0 .LBB2_1-.Ltmp2, $4  }
0x2b: {  	[hbm:s8], [sflag:s6] =	dma.local [spmem:s10], $0x2710  }
0x2c: {  	_ =	swait.ge [sflag:s11], $0x2710  }
0x2d: {  	[sflag:s11] =	ssyncset.done $0x0  }
0x2e: {  	[sflag:s11] =	ssyncadd.s32 $0xFFFFD8F0  }
0x2f: {  	_ =	sfence.sel $0x180000  }
0x30: {  	[bflag:$0x0] =	sbarrier.arrive $0xFFFF  }
0x31: {  	p0 =	sne.s32 s3, $0x0;
	_ =	strace $0x9000004A  }
0x32: {  	s0 =	sadd.s32 @!p0 $0x100000, s0;
	[bflag:$0x2] =	sbarrier.arrive $0xFFFF  }
0x33: {  	[sflag:s0] =	ssyncadd.tile.s32 @!p0 $0x1;
	_ =	shalt  }
.Lfunc_end2:
_tile_overlayer_lowered:
.L_overlay_start_2:
0x34: {  	(tag) =	ssettag $0x2  }
0x35: {  	s0 =	rddreg [dreg:$0x0];
	s2 =	stileid.u32  }
0x36: {  	s1 =	rddreg [dreg:$0x1];
	p0 =	sne.s32 s2, $0x0  }
0x37: {  	s3 =	rddreg [dreg:$0x2];
	[bflag:$0x3] =	sbarrier.arrive $0xFFFF;
	s2 =	simm.s32 @!p0 $0x1C02  }
0x38: {  	[timem:s3], [sflag:s2] =	dma.local @!p0 [hbm:s0], s1  }
0x39: {  	s0 =	simm.s32 @!p0 $0x2  }
0x3a: {  	_ =	swait.ge @!p0 [sflag:s0], s1  }
0x3b: {  	s1 =	ssub.s32 @!p0 $0x0, s1;
	[sflag:s0] =	ssyncset.done @!p0 $0x0  }
0x3c: {  	[sflag:s0] =	ssyncadd.s32 @!p0 s1  }
0x3d: {  	[bflag:$0x3] =	sbarrier.arrive $0xFFFF  }
0x3e: {  	_ =	shalt  }

</sc_bundles>
